<compile_context>
chip_gen: v7x
topology: tpu7x:2x2x1
jax: 0.10.2.dev20260603
libtpu: 0.0.44.dev20260713+nightly
codegen_flags: <defaults>
</compile_context>

<pallas_src>
import jax
import jax.numpy as jnp
from jax.experimental import pallas as pl

_B = 8
_P = 1024
_BR = 512
_EPS = 1e-5


def _fwd_kernel(x_ref, w_ref, b_ref, m_ref, y_ref, s_ref, ss_ref, c_ref):
    y = jnp.dot(x_ref[...], w_ref[...], preferred_element_type=jnp.float32)
    y = jnp.maximum(y + b_ref[...], 0.0)
    y_ref[...] = y
    m = m_ref[...]
    ym = y * m

    @pl.when(pl.program_id(0) == 0)
    def _init():
        s_ref[...] = jnp.zeros_like(s_ref)
        ss_ref[...] = jnp.zeros_like(ss_ref)
        c_ref[...] = jnp.zeros_like(c_ref)

    s_ref[...] += jnp.sum(ym, axis=0, keepdims=True)
    ss_ref[...] += jnp.sum(ym * y, axis=0, keepdims=True)
    c_ref[...] += jnp.sum(m)


def _bn_math(y, s, ss, c, g, bt):
    cnt = jnp.maximum(c, 1.0)
    mean = s / cnt
    var = jnp.maximum(ss / cnt - mean * mean, 0.0)
    rstd = jax.lax.rsqrt(var + _EPS)
    return (y - mean) * rstd * g + bt


def _bn_kernel(y_ref, s_ref, ss_ref, c_ref, g_ref, bt_ref, o_ref):
    o_ref[...] = _bn_math(
        y_ref[...], s_ref[...], ss_ref[...], c_ref[0, 0], g_ref[...], bt_ref[...]
    )


def _fused_kernel(x_ref, ps_ref, pss_ref, pc_ref, pg_ref, pbt_ref,
                  w_ref, b_ref, m_ref, y_ref, s_ref, ss_ref, c_ref):
    x = _bn_math(x_ref[...], ps_ref[...], pss_ref[...], pc_ref[0, 0],
                 pg_ref[...], pbt_ref[...])
    y = jnp.dot(x, w_ref[...], preferred_element_type=jnp.float32)
    y = jnp.maximum(y + b_ref[...], 0.0)
    y_ref[...] = y
    m = m_ref[...]
    ym = y * m

    @pl.when(pl.program_id(0) == 0)
    def _init():
        s_ref[...] = jnp.zeros_like(s_ref)
        ss_ref[...] = jnp.zeros_like(ss_ref)
        c_ref[...] = jnp.zeros_like(c_ref)

    s_ref[...] += jnp.sum(ym, axis=0, keepdims=True)
    ss_ref[...] += jnp.sum(ym * y, axis=0, keepdims=True)
    c_ref[...] += jnp.sum(m)


def _mlp_p(x, layers, mask):
    shp = x.shape
    x2 = x.reshape(-1, shp[-1])
    n, cin = x2.shape
    np_ = -(-n // _BR) * _BR
    grid = np_ // _BR
    mp = jnp.pad(mask.reshape(-1).astype(jnp.float32), (0, np_ - n)).reshape(np_, 1)
    cip = -(-cin // 128) * 128
    xp = jnp.pad(x2, ((0, np_ - n), (0, cip - cin)))

    stat_specs = [
        pl.BlockSpec((1, cip), lambda i: (0, 0)),
        pl.BlockSpec((1, cip), lambda i: (0, 0)),
        pl.BlockSpec((1, 1), lambda i: (0, 0)),
    ]
    prev = None
    for lp in layers:
        cout = lp["W"].shape[1]
        cop = -(-cout // 128) * 128
        wp = jnp.pad(lp["W"], ((0, cip - lp["W"].shape[0]), (0, cop - cout)))
        bp = jnp.pad(lp["b"], (0, cop - cout)).reshape(1, cop)
        gp = jnp.pad(lp["gamma"], (0, cop - cout)).reshape(1, cop)
        btp = jnp.pad(lp["beta"], (0, cop - cout)).reshape(1, cop)
        out_specs = [
            pl.BlockSpec((_BR, cop), lambda i: (i, 0)),
            pl.BlockSpec((1, cop), lambda i: (0, 0)),
            pl.BlockSpec((1, cop), lambda i: (0, 0)),
            pl.BlockSpec((1, 1), lambda i: (0, 0)),
        ]
        out_shape = [
            jax.ShapeDtypeStruct((np_, cop), jnp.float32),
            jax.ShapeDtypeStruct((1, cop), jnp.float32),
            jax.ShapeDtypeStruct((1, cop), jnp.float32),
            jax.ShapeDtypeStruct((1, 1), jnp.float32),
        ]
        mat_specs = [
            pl.BlockSpec((cip, cop), lambda i: (0, 0)),
            pl.BlockSpec((1, cop), lambda i: (0, 0)),
            pl.BlockSpec((_BR, 1), lambda i: (i, 0)),
        ]
        if prev is None:
            y, s, ss, c = pl.pallas_call(
                _fwd_kernel,
                grid=(grid,),
                in_specs=[pl.BlockSpec((_BR, cip), lambda i: (i, 0))] + mat_specs,
                out_specs=out_specs,
                out_shape=out_shape,
            )(xp, wp, bp, mp)
        else:
            py, ps, pss, pc, pgp, pbtp = prev
            y, s, ss, c = pl.pallas_call(
                _fused_kernel,
                grid=(grid,),
                in_specs=[pl.BlockSpec((_BR, cip), lambda i: (i, 0))]
                + stat_specs
                + [pl.BlockSpec((1, cip), lambda i: (0, 0))] * 2
                + mat_specs,
                out_specs=out_specs,
                out_shape=out_shape,
            )(py, ps, pss, pc, pgp, pbtp, wp, bp, mp)
        prev = (y, s, ss, c, gp, btp)
        cip = cop
        stat_specs = [
            pl.BlockSpec((1, cop), lambda i: (0, 0)),
            pl.BlockSpec((1, cop), lambda i: (0, 0)),
            pl.BlockSpec((1, 1), lambda i: (0, 0)),
        ]

    y, s, ss, c, gp, btp = prev
    out = pl.pallas_call(
        _bn_kernel,
        grid=(grid,),
        in_specs=[pl.BlockSpec((_BR, cip), lambda i: (i, 0))]
        + stat_specs
        + [pl.BlockSpec((1, cip), lambda i: (0, 0))] * 2,
        out_specs=pl.BlockSpec((_BR, cip), lambda i: (i, 0)),
        out_shape=jax.ShapeDtypeStruct((np_, cip), jnp.float32),
    )(y, s, ss, c, gp, btp)
    return out[:n, :cout].reshape(*shp[:-1], cout)


def _gather(arr, idx):
    return jax.vmap(lambda a, i: a[i])(arr, idx)


def _fps(pos_b, s):
    pg = jax.lax.stop_gradient(pos_b)
    d2 = jnp.sum((pg[:, :, None, :] - pg[:, None, :, :]) ** 2, axis=-1)
    sel = jnp.zeros((pg.shape[0], s), dtype=jnp.int32)
    mind = d2[:, 0, :]

    def body(i, carry):
        mind, sel = carry
        nxt = jnp.argmax(mind, axis=1).astype(jnp.int32)
        sel = sel.at[:, i].set(nxt)
        dn = jnp.take_along_axis(d2, nxt[:, None, None], axis=1)[:, 0, :]
        return jnp.minimum(mind, dn), sel

    mind, sel = jax.lax.fori_loop(1, s, body, (mind, sel))
    return sel


def _point_conv(x, pos, r, k, layers):
    d2 = jnp.sum((pos[:, :, None, :] - pos[:, None, :, :]) ** 2, axis=-1)
    dm = jnp.where(d2 <= r * r, jax.lax.stop_gradient(d2), jnp.inf)
    neg, idx = jax.lax.top_k(-dm, k)
    valid = jnp.isfinite(neg)
    pos_j = _gather(pos, idx)
    rel = pos_j - pos[:, :, None, :]
    x_j = _gather(x, idx)
    h = jnp.concatenate([x_j, rel], axis=-1)
    h = _mlp_p(h, layers, valid)
    h = jnp.where(valid[..., None], h, -jnp.inf)
    return jnp.max(h, axis=2)


def _knn_interp1(feat_lr, pos_lr, pos_hr):
    d2 = jnp.sum((pos_hr[:, :, None, :] - pos_lr[:, None, :, :]) ** 2, axis=-1)
    nn_idx = jnp.argmin(d2, axis=2)
    return _gather(feat_lr, nn_idx)


def _branch(f, p, s, params):
    sel = _fps(p, s)
    pos_lr = _gather(p, sel)
    x_lr = _gather(f, sel)
    x1 = _point_conv(x_lr, pos_lr, 0.4, 16, params["conv1"])
    x2 = _point_conv(x1, pos_lr, 0.9, 32, params["conv2"])
    lr_feat = jnp.concatenate([x2, pos_lr], axis=-1)
    interp = _knn_interp1(lr_feat, pos_lr, p)
    return jnp.concatenate([f, p, interp], axis=-1)


def kernel(features, pos, params, batch_idx):
    f = features.reshape(_B, _P, -1)
    p = pos.reshape(_B, _P, 3)
    hr = _branch(f, p, 512, params)
    mr = _branch(f, p, 256, params)
    lr = _branch(f, p, 128, params)
    x = jnp.concatenate([hr, mr, lr, p], axis=-1).reshape(_B * _P, -1)
    mask = jnp.ones((x.shape[0],), dtype=jnp.float32)
    return _mlp_p(x, params["head"], mask)

# --- scband reference (transcript-rebuilt; emitter-appended) ---
"""Pipeline reference for scband-point-net2-mrgextractor-52879637348769 (READ-ONLY COPY).

The authoritative reference and input builder live on the scoring server;
editing this copy changes nothing except your own understanding.
"""

import jax, jax.numpy as jnp
import numpy as np

P = 1024
B = 8
NFEAT = 5
OUT_CHANS = 256

def _init_mlp(key, channels):
    layers = []
    for i in range(1, len(channels)):
        key, sub = jax.random.split(key)
        W = jax.random.normal(sub, (channels[i - 1], channels[i]), dtype=jnp.float32) / np.sqrt(channels[i - 1])
        layers.append({"W": W, "b": jnp.zeros((channels[i],), jnp.float32),
                       "gamma": jnp.ones((channels[i],), jnp.float32),
                       "beta": jnp.zeros((channels[i],), jnp.float32)})
    return key, layers

def setup_inputs(seed: int = 0):
    key = jax.random.key(seed)
    k1, k2, key = jax.random.split(key, 3)
    features = jax.random.normal(k1, (B * P, NFEAT), dtype=jnp.float32)
    pos = jax.random.uniform(k2, (B * P, 3), dtype=jnp.float32)
    batch_idx = jnp.repeat(jnp.arange(B, dtype=jnp.int32), P)
    key, conv1 = _init_mlp(key, [NFEAT + 3, 64, 64, 128])
    key, conv2 = _init_mlp(key, [3 + 128, 128, 128, 256])
    key, head = _init_mlp(key, [(256 + NFEAT + 3 + 3) * 3 + 3, 1024, 1024, OUT_CHANS])
    params = {"conv1": conv1, "conv2": conv2, "head": head}
    return {"features": features, "pos": pos, "params": params, "batch_idx": batch_idx}

def _masked_bn(x, gamma, beta, mask, eps=1e-5):
    axes = tuple(range(x.ndim - 1))
    m = mask.astype(x.dtype)[..., None]
    cnt = jnp.maximum(jnp.sum(m, axis=axes), 1.0)
    mean = jnp.sum(x * m, axis=axes) / cnt
    var = jnp.sum(m * (x - mean) ** 2, axis=axes) / cnt
    return (x - mean) * jax.lax.rsqrt(var + eps) * gamma + beta

def _mlp(x, layers, mask):
    for lp in layers:
        x = jax.nn.relu(jnp.dot(x, lp["W"]) + lp["b"])
        x = _masked_bn(x, lp["gamma"], lp["beta"], mask)
    return x

def _gather(arr, idx):
    return jax.vmap(lambda a, i: a[i])(arr, idx)

def _fps(pos_b, S):
    pg = jax.lax.stop_gradient(pos_b)
    d2 = jnp.sum((pg[:, :, None, :] - pg[:, None, :, :]) ** 2, axis=-1)
    sel = jnp.zeros((pg.shape[0], S), dtype=jnp.int32)
    mind = d2[:, 0, :]
    def body(i, carry):
        mind, sel = carry
        nxt = jnp.argmax(mind, axis=1).astype(jnp.int32)
        sel = sel.at[:, i].set(nxt)
        dn = jnp.take_along_axis(d2, nxt[:, None, None], axis=1)[:, 0, :]
        return jnp.minimum(mind, dn), sel
    mind, sel = jax.lax.fori_loop(1, S, body, (mind, sel))
    return sel

def _point_conv(x, pos, r, K, layers):
    d2 = jnp.sum((pos[:, :, None, :] - pos[:, None, :, :]) ** 2, axis=-1)
    dm = jnp.where(d2 <= r * r, jax.lax.stop_gradient(d2), jnp.inf)
    neg, idx = jax.lax.top_k(-dm, K)
    valid = jnp.isfinite(neg)
    pos_j = _gather(pos, idx)
    rel = pos_j - pos[:, :, None, :]
    x_j = _gather(x, idx)
    h = jnp.concatenate([x_j, rel], axis=-1)
    h = _mlp(h, layers, valid)
    h = jnp.where(valid[..., None], h, -jnp.inf)
    return jnp.max(h, axis=2)

def _knn_interp1(feat_lr, pos_lr, pos_hr):
    d2 = jnp.sum((pos_hr[:, :, None, :] - pos_lr[:, None, :, :]) ** 2, axis=-1)
    nn_idx = jnp.argmin(d2, axis=2)
    return _gather(feat_lr, nn_idx)

def _branch(f, p, S, params):
    sel = _fps(p, S)
    pos_lr = _gather(p, sel)
    x_lr = _gather(f, sel)
    x1 = _point_conv(x_lr, pos_lr, 0.4, 16, params["conv1"])
    x2 = _point_conv(x1, pos_lr, 0.9, 32, params["conv2"])
    lr_feat = jnp.concatenate([x2, pos_lr], axis=-1)
    interp = _knn_interp1(lr_feat, pos_lr, p)
    return jnp.concatenate([f, p, interp], axis=-1)

def _forward(features, pos, params):
    f = features.reshape(B, P, -1)
    p = pos.reshape(B, P, 3)
    hr = _branch(f, p, 512, params)
    mr = _branch(f, p, 256, params)
    lr = _branch(f, p, 128, params)
    x = jnp.concatenate([hr, mr, lr, p], axis=-1).reshape(B * P, -1)
    mask = jnp.ones((x.shape[0],), dtype=bool)
    return _mlp(x, params["head"], mask)

def reference(features, pos, params, batch_idx):
    return _forward(features, pos, params)

if __name__ == "__main__":
    import jax
    _d = setup_inputs()
    print(jax.jit(kernel)(*tuple(_d.values())))

</pallas_src>

<mosaic_0001>
module attributes {stable_mosaic.version = 14 : i64} {
  func.func @_fwd_kernel(%arg0: i32, %arg1: memref<512x896xf32, #tpu.memory_space<vmem>>, %arg2: memref<896x1024xf32, #tpu.memory_space<vmem>>, %arg3: memref<1x1024xf32, #tpu.memory_space<vmem>>, %arg4: memref<512x1xf32, #tpu.memory_space<vmem>>, %arg5: memref<512x1024xf32, #tpu.memory_space<vmem>>, %arg6: memref<1x1024xf32, #tpu.memory_space<vmem>>, %arg7: memref<1x1024xf32, #tpu.memory_space<vmem>>, %arg8: memref<1x1xf32, #tpu.memory_space<vmem>>) attributes {dimension_semantics = [#tpu.dimension_semantics<arbitrary>], iteration_bounds = array<i64: 16>, scalar_prefetch = 0 : i64, scratch_operands = 0 : i64, tpu.core_type = #tpu.core_type<tc>, window_params = [{transform_indices = @transform_0, window_bounds = array<i64: 512, 896>}, {pipeline_mode = #tpu.pipeline_mode<synchronous>, transform_indices = @transform_1, window_bounds = array<i64: 896, 1024>}, {pipeline_mode = #tpu.pipeline_mode<synchronous>, transform_indices = @transform_2, window_bounds = array<i64: 1, 1024>}, {transform_indices = @transform_3, window_bounds = array<i64: 512, 1>}, {transform_indices = @transform_4, window_bounds = array<i64: 512, 1024>}, {pipeline_mode = #tpu.pipeline_mode<synchronous>, transform_indices = @transform_5, window_bounds = array<i64: 1, 1024>}, {pipeline_mode = #tpu.pipeline_mode<synchronous>, transform_indices = @transform_6, window_bounds = array<i64: 1, 1024>}, {pipeline_mode = #tpu.pipeline_mode<synchronous>, transform_indices = @transform_7, window_bounds = array<i64: 1, 1>}]} {
    %get3A = arith.constant 0 : index
    %get3A_0 = arith.constant 0 : index
    %get3A_1 = vector.load %arg1[%get3A, %get3A_0] : memref<512x896xf32, #tpu.memory_space<vmem>>, vector<512x896xf32>
    %get3A_2 = arith.constant 0 : index
    %get3A_3 = arith.constant 0 : index
    %get3A_4 = vector.load %arg2[%get3A_2, %get3A_3] : memref<896x1024xf32, #tpu.memory_space<vmem>>, vector<896x1024xf32>
    %dot_general3A = arith.constant dense<0.000000e+00> : vector<512x1024xf32>
    %dot_general3A_5 = tpu.matmul %get3A_1, %get3A_4, %dot_general3A {dimension_numbers = #tpu.dot_dimension_numbers<[1], [0], [0], [1], [0, 0, 1, 1], [], []>, transpose_lhs_hint = false} : vector<512x896xf32>, vector<896x1024xf32>, vector<512x1024xf32> -> vector<512x1024xf32>
    %get3A_6 = arith.constant 0 : index
    %get3A_7 = arith.constant 0 : index
    %get3A_8 = vector.load %arg3[%get3A_6, %get3A_7] : memref<1x1024xf32, #tpu.memory_space<vmem>>, vector<1x1024xf32>
    %add3A = vector.broadcast %get3A_8 : vector<1x1024xf32> to vector<512x1024xf32>
    %add3A_9 = arith.addf %dot_general3A_5, %add3A : vector<512x1024xf32>
    %max3A = arith.constant 0.000000e+00 : f32
    %max3A_10 = vector.broadcast %max3A : f32 to vector<512x1024xf32>
    %max3A_11 = arith.maximumf %add3A_9, %max3A_10 : vector<512x1024xf32>
    %swap3A = arith.constant 0 : index
    %swap3A_12 = arith.constant 0 : index
    %swap3A_13 = vector.load %arg5[%swap3A, %swap3A_12] : memref<512x1024xf32, #tpu.memory_space<vmem>>, vector<512x1024xf32>
    tpu.vector_store %arg5[%swap3A, %swap3A_12], %max3A_11 {strides = array<i32>} : memref<512x1024xf32, #tpu.memory_space<vmem>>, vector<512x1024xf32>,
    %get3A_14 = arith.constant 0 : index
    %get3A_15 = arith.constant 0 : index
    %get3A_16 = vector.load %arg4[%get3A_14, %get3A_15] : memref<512x1xf32, #tpu.memory_space<vmem>>, vector<512x1xf32>
    %mul3A = vector.broadcast %get3A_16 : vector<512x1xf32> to vector<512x1024xf32>
    %mul3A_17 = arith.mulf %max3A_11, %mul3A : vector<512x1024xf32>
    %eq3A = arith.constant 0 : i32
    %eq3A_18 = arith.cmpi eq, %arg0, %eq3A : i32
    %convert_element_type3A = arith.extui %eq3A_18 : i1 to i32
    %cond3A = arith.constant 0 : i32
    %cond3A_19 = arith.cmpi ne, %convert_element_type3A, %cond3A : i32
    scf.if %cond3A_19 {
      %broadcast_in_dim3A_52 = arith.constant 0.000000e+00 : f32
      %broadcast_in_dim3A_53 = vector.broadcast %broadcast_in_dim3A_52 : f32 to vector<1x1024xf32>
      %swap3A_54 = arith.constant 0 : index
      %swap3A_55 = arith.constant 0 : index
      %swap3A_56 = vector.load %arg6[%swap3A_54, %swap3A_55] : memref<1x1024xf32, #tpu.memory_space<vmem>>, vector<1x1024xf32>
      tpu.vector_store %arg6[%swap3A_54, %swap3A_55], %broadcast_in_dim3A_53 {strides = array<i32>} : memref<1x1024xf32, #tpu.memory_space<vmem>>, vector<1x1024xf32>,
      %broadcast_in_dim3A_57 = arith.constant 0.000000e+00 : f32
      %broadcast_in_dim3A_58 = vector.broadcast %broadcast_in_dim3A_57 : f32 to vector<1x1024xf32>
      %swap3A_59 = arith.constant 0 : index
      %swap3A_60 = arith.constant 0 : index
      %swap3A_61 = vector.load %arg7[%swap3A_59, %swap3A_60] : memref<1x1024xf32, #tpu.memory_space<vmem>>, vector<1x1024xf32>
      tpu.vector_store %arg7[%swap3A_59, %swap3A_60], %broadcast_in_dim3A_58 {strides = array<i32>} : memref<1x1024xf32, #tpu.memory_space<vmem>>, vector<1x1024xf32>,
      %broadcast_in_dim3A_62 = arith.constant 0.000000e+00 : f32
      %broadcast_in_dim3A_63 = vector.broadcast %broadcast_in_dim3A_62 : f32 to vector<1x1xf32>
      %swap3A_64 = arith.constant 0 : index
      %swap3A_65 = arith.constant 0 : index
      %swap3A_66 = vector.load %arg8[%swap3A_64, %swap3A_65] : memref<1x1xf32, #tpu.memory_space<vmem>>, vector<1x1xf32>
      tpu.vector_store %arg8[%swap3A_64, %swap3A_65], %broadcast_in_dim3A_63 {strides = array<i32>} : memref<1x1xf32, #tpu.memory_space<vmem>>, vector<1x1xf32>,
    } else {
    }
    %get3A_20 = arith.constant 0 : index
    %get3A_21 = arith.constant 0 : index
    %get3A_22 = vector.load %arg6[%get3A_20, %get3A_21] : memref<1x1024xf32, #tpu.memory_space<vmem>>, vector<1x1024xf32>
    %reduce_sum3A = arith.constant dense<0.000000e+00> : vector<1024xf32>
    %reduce_sum3A_23 = vector.multi_reduction <add>, %mul3A_17, %reduce_sum3A [0] : vector<512x1024xf32> to vector<1024xf32>
    %broadcast_in_dim3A = vector.shape_cast %reduce_sum3A_23 : vector<1024xf32> to vector<1x1024xf32>
    %add3A_24 = arith.addf %get3A_22, %broadcast_in_dim3A : vector<1x1024xf32>
    %swap3A_25 = arith.constant 0 : index
    %swap3A_26 = arith.constant 0 : index
    %swap3A_27 = vector.load %arg6[%swap3A_25, %swap3A_26] : memref<1x1024xf32, #tpu.memory_space<vmem>>, vector<1x1024xf32>
    tpu.vector_store %arg6[%swap3A_25, %swap3A_26], %add3A_24 {strides = array<i32>} : memref<1x1024xf32, #tpu.memory_space<vmem>>, vector<1x1024xf32>,
    %get3A_28 = arith.constant 0 : index
    %get3A_29 = arith.constant 0 : index
    %get3A_30 = vector.load %arg7[%get3A_28, %get3A_29] : memref<1x1024xf32, #tpu.memory_space<vmem>>, vector<1x1024xf32>
    %mul3A_31 = arith.mulf %mul3A_17, %max3A_11 : vector<512x1024xf32>
    %reduce_sum3A_32 = arith.constant dense<0.000000e+00> : vector<1024xf32>
    %reduce_sum3A_33 = vector.multi_reduction <add>, %mul3A_31, %reduce_sum3A_32 [0] : vector<512x1024xf32> to vector<1024xf32>
    %broadcast_in_dim3A_34 = vector.shape_cast %reduce_sum3A_33 : vector<1024xf32> to vector<1x1024xf32>
    %add3A_35 = arith.addf %get3A_30, %broadcast_in_dim3A_34 : vector<1x1024xf32>
    %swap3A_36 = arith.constant 0 : index
    %swap3A_37 = arith.constant 0 : index
    %swap3A_38 = vector.load %arg7[%swap3A_36, %swap3A_37] : memref<1x1024xf32, #tpu.memory_space<vmem>>, vector<1x1024xf32>
    tpu.vector_store %arg7[%swap3A_36, %swap3A_37], %add3A_35 {strides = array<i32>} : memref<1x1024xf32, #tpu.memory_space<vmem>>, vector<1x1024xf32>,
    %get3A_39 = arith.constant 0 : index
    %get3A_40 = arith.constant 0 : index
    %get3A_41 = vector.load %arg8[%get3A_39, %get3A_40] : memref<1x1xf32, #tpu.memory_space<vmem>>, vector<1x1xf32>
    %reduce_sum3A_42 = vector.shape_cast %get3A_16 : vector<512x1xf32> to vector<1x512x1xf32>
    %reduce_sum3A_43 = arith.constant dense<0.000000e+00> : vector<1xf32>
    %reduce_sum3A_44 = vector.multi_reduction <add>, %reduce_sum3A_42, %reduce_sum3A_43 [1, 2] : vector<1x512x1xf32> to vector<1xf32>
    %reduce_sum3A_45 = vector.shape_cast %reduce_sum3A_44 : vector<1xf32> to vector<1x1x1xf32>
    %reduce_sum3A_46 = vector.extract %reduce_sum3A_45[0, 0, 0] : f32 from vector<1x1x1xf32>
    %add3A_47 = vector.broadcast %reduce_sum3A_46 : f32 to vector<1x1xf32>
    %add3A_48 = arith.addf %get3A_41, %add3A_47 : vector<1x1xf32>
    %swap3A_49 = arith.constant 0 : index
    %swap3A_50 = arith.constant 0 : index
    %swap3A_51 = vector.load %arg8[%swap3A_49, %swap3A_50] : memref<1x1xf32, #tpu.memory_space<vmem>>, vector<1x1xf32>
    tpu.vector_store %arg8[%swap3A_49, %swap3A_50], %add3A_48 {strides = array<i32>} : memref<1x1xf32, #tpu.memory_space<vmem>>, vector<1x1xf32>,
    return
  }
  func.func @transform_0(%arg0: i32) -> (i32, i32) {
    %c0_i32 = arith.constant 0 : i32
    %c0_i32_0 = arith.constant 0 : i32
    return %arg0, %c0_i32 : i32, i32
  }
  func.func @transform_1(%arg0: i32) -> (i32, i32) {
    %c0_i32 = arith.constant 0 : i32
    %c0_i32_0 = arith.constant 0 : i32
    %c0_i32_1 = arith.constant 0 : i32
    return %c0_i32, %c0_i32_0 : i32, i32
  }
  func.func @transform_2(%arg0: i32) -> (i32, i32) {
    %c0_i32 = arith.constant 0 : i32
    %c0_i32_0 = arith.constant 0 : i32
    %c0_i32_1 = arith.constant 0 : i32
    return %c0_i32, %c0_i32_0 : i32, i32
  }
  func.func @transform_3(%arg0: i32) -> (i32, i32) {
    %c0_i32 = arith.constant 0 : i32
    %c0_i32_0 = arith.constant 0 : i32
    return %arg0, %c0_i32 : i32, i32
  }
  func.func @transform_4(%arg0: i32) -> (i32, i32) {
    %c0_i32 = arith.constant 0 : i32
    %c0_i32_0 = arith.constant 0 : i32
    return %arg0, %c0_i32 : i32, i32
  }
  func.func @transform_5(%arg0: i32) -> (i32, i32) {
    %c0_i32 = arith.constant 0 : i32
    %c0_i32_0 = arith.constant 0 : i32
    %c0_i32_1 = arith.constant 0 : i32
    return %c0_i32, %c0_i32_0 : i32, i32
  }
  func.func @transform_6(%arg0: i32) -> (i32, i32) {
    %c0_i32 = arith.constant 0 : i32
    %c0_i32_0 = arith.constant 0 : i32
    %c0_i32_1 = arith.constant 0 : i32
    return %c0_i32, %c0_i32_0 : i32, i32
  }
  func.func @transform_7(%arg0: i32) -> (i32, i32) {
    %c0_i32 = arith.constant 0 : i32
    %c0_i32_0 = arith.constant 0 : i32
    %c0_i32_1 = arith.constant 0 : i32
    return %c0_i32, %c0_i32_0 : i32, i32
  }
}

module attributes {stable_mosaic.version = 14 : i64} {
  func.func @_fused_kernel(%arg0: i32, %arg1: memref<512x1024xf32, #tpu.memory_space<vmem>>, %arg2: memref<1x1024xf32, #tpu.memory_space<vmem>>, %arg3: memref<1x1024xf32, #tpu.memory_space<vmem>>, %arg4: memref<1x1xf32, #tpu.memory_space<vmem>>, %arg5: memref<1x1024xf32, #tpu.memory_space<vmem>>, %arg6: memref<1x1024xf32, #tpu.memory_space<vmem>>, %arg7: memref<1024x1024xf32, #tpu.memory_space<vmem>>, %arg8: memref<1x1024xf32, #tpu.memory_space<vmem>>, %arg9: memref<512x1xf32, #tpu.memory_space<vmem>>, %arg10: memref<512x1024xf32, #tpu.memory_space<vmem>>, %arg11: memref<1x1024xf32, #tpu.memory_space<vmem>>, %arg12: memref<1x1024xf32, #tpu.memory_space<vmem>>, %arg13: memref<1x1xf32, #tpu.memory_space<vmem>>) attributes {dimension_semantics = [#tpu.dimension_semantics<arbitrary>], iteration_bounds = array<i64: 16>, scalar_prefetch = 0 : i64, scratch_operands = 0 : i64, tpu.core_type = #tpu.core_type<tc>, window_params = [{transform_indices = @transform_0, window_bounds = array<i64: 512, 1024>}, {pipeline_mode = #tpu.pipeline_mode<synchronous>, transform_indices = @transform_1, window_bounds = array<i64: 1, 1024>}, {pipeline_mode = #tpu.pipeline_mode<synchronous>, transform_indices = @transform_2, window_bounds = array<i64: 1, 1024>}, {pipeline_mode = #tpu.pipeline_mode<synchronous>, transform_indices = @transform_3, window_bounds = array<i64: 1, 1>}, {pipeline_mode = #tpu.pipeline_mode<synchronous>, transform_indices = @transform_4, window_bounds = array<i64: 1, 1024>}, {pipeline_mode = #tpu.pipeline_mode<synchronous>, transform_indices = @transform_5, window_bounds = array<i64: 1, 1024>}, {pipeline_mode = #tpu.pipeline_mode<synchronous>, transform_indices = @transform_6, window_bounds = array<i64: 1024, 1024>}, {pipeline_mode = #tpu.pipeline_mode<synchronous>, transform_indices = @transform_7, window_bounds = array<i64: 1, 1024>}, {transform_indices = @transform_8, window_bounds = array<i64: 512, 1>}, {transform_indices = @transform_9, window_bounds = array<i64: 512, 1024>}, {pipeline_mode = #tpu.pipeline_mode<synchronous>, transform_indices = @transform_10, window_bounds = array<i64: 1, 1024>}, {pipeline_mode = #tpu.pipeline_mode<synchronous>, transform_indices = @transform_11, window_bounds = array<i64: 1, 1024>}, {pipeline_mode = #tpu.pipeline_mode<synchronous>, transform_indices = @transform_12, window_bounds = array<i64: 1, 1>}]} {
    %get3A = arith.constant 0 : index
    %get3A_0 = arith.constant 0 : index
    %get3A_1 = vector.load %arg1[%get3A, %get3A_0] : memref<512x1024xf32, #tpu.memory_space<vmem>>, vector<512x1024xf32>
    %get3A_2 = arith.constant 0 : index
    %get3A_3 = arith.constant 0 : index
    %get3A_4 = vector.load %arg2[%get3A_2, %get3A_3] : memref<1x1024xf32, #tpu.memory_space<vmem>>, vector<1x1024xf32>
    %get3A_5 = arith.constant 0 : index
    %get3A_6 = arith.constant 0 : index
    %get3A_7 = vector.load %arg3[%get3A_5, %get3A_6] : memref<1x1024xf32, #tpu.memory_space<vmem>>, vector<1x1024xf32>
    %get3A_8 = arith.constant 0 : index
    %get3A_9 = arith.constant 0 : index
    %get3A_10 = vector.load %arg4[%get3A_8, %get3A_9] : memref<1x1xf32, #tpu.memory_space<vmem>>, vector<1x1xf32>
    %get3A_11 = vector.extract %get3A_10[0, 0] : f32 from vector<1x1xf32>
    %get3A_12 = arith.constant 0 : index
    %get3A_13 = arith.constant 0 : index
    %get3A_14 = vector.load %arg5[%get3A_12, %get3A_13] : memref<1x1024xf32, #tpu.memory_space<vmem>>, vector<1x1024xf32>
    %get3A_15 = arith.constant 0 : index
    %get3A_16 = arith.constant 0 : index
    %get3A_17 = vector.load %arg6[%get3A_15, %get3A_16] : memref<1x1024xf32, #tpu.memory_space<vmem>>, vector<1x1024xf32>
    %max3A = arith.constant 1.000000e+00 : f32
    %max3A_18 = arith.maximumf %get3A_11, %max3A : f32
    %div3A = vector.broadcast %max3A_18 : f32 to vector<1x1024xf32>
    %div3A_19 = arith.divf %get3A_4, %div3A : vector<1x1024xf32>
    %div3A_20 = vector.broadcast %max3A_18 : f32 to vector<1x1024xf32>
    %div3A_21 = arith.divf %get3A_7, %div3A_20 : vector<1x1024xf32>
    %mul3A = arith.mulf %div3A_19, %div3A_19 : vector<1x1024xf32>
    %sub3A = arith.subf %div3A_21, %mul3A : vector<1x1024xf32>
    %max3A_22 = arith.constant 0.000000e+00 : f32
    %max3A_23 = vector.broadcast %max3A_22 : f32 to vector<1x1024xf32>
    %max3A_24 = arith.maximumf %sub3A, %max3A_23 : vector<1x1024xf32>
    %add3A = arith.constant 9.99999974E-6 : f32
    %add3A_25 = vector.broadcast %add3A : f32 to vector<1x1024xf32>
    %add3A_26 = arith.addf %max3A_24, %add3A_25 : vector<1x1024xf32>
    %rsqrt3A = math.rsqrt %add3A_26 : vector<1x1024xf32>
    %sub3A_27 = vector.broadcast %div3A_19 : vector<1x1024xf32> to vector<512x1024xf32>
    %sub3A_28 = arith.subf %get3A_1, %sub3A_27 : vector<512x1024xf32>
    %mul3A_29 = vector.broadcast %rsqrt3A : vector<1x1024xf32> to vector<512x1024xf32>
    %mul3A_30 = arith.mulf %sub3A_28, %mul3A_29 : vector<512x1024xf32>
    %mul3A_31 = vector.broadcast %get3A_14 : vector<1x1024xf32> to vector<512x1024xf32>
    %mul3A_32 = arith.mulf %mul3A_30, %mul3A_31 : vector<512x1024xf32>
    %add3A_33 = vector.broadcast %get3A_17 : vector<1x1024xf32> to vector<512x1024xf32>
    %add3A_34 = arith.addf %mul3A_32, %add3A_33 : vector<512x1024xf32>
    %get3A_35 = arith.constant 0 : index
    %get3A_36 = arith.constant 0 : index
    %get3A_37 = vector.load %arg7[%get3A_35, %get3A_36] : memref<1024x1024xf32, #tpu.memory_space<vmem>>, vector<1024x1024xf32>
    %dot_general3A = arith.constant dense<0.000000e+00> : vector<512x1024xf32>
    %dot_general3A_38 = tpu.matmul %add3A_34, %get3A_37, %dot_general3A {dimension_numbers = #tpu.dot_dimension_numbers<[1], [0], [0], [1], [0, 0, 1, 1], [], []>, transpose_lhs_hint = false} : vector<512x1024xf32>, vector<1024x1024xf32>, vector<512x1024xf32> -> vector<512x1024xf32>
    %get3A_39 = arith.constant 0 : index
    %get3A_40 = arith.constant 0 : index
    %get3A_41 = vector.load %arg8[%get3A_39, %get3A_40] : memref<1x1024xf32, #tpu.memory_space<vmem>>, vector<1x1024xf32>
    %add3A_42 = vector.broadcast %get3A_41 : vector<1x1024xf32> to vector<512x1024xf32>
    %add3A_43 = arith.addf %dot_general3A_38, %add3A_42 : vector<512x1024xf32>
    %max3A_44 = arith.constant 0.000000e+00 : f32
    %max3A_45 = vector.broadcast %max3A_44 : f32 to vector<512x1024xf32>
    %max3A_46 = arith.maximumf %add3A_43, %max3A_45 : vector<512x1024xf32>
    %swap3A = arith.constant 0 : index
    %swap3A_47 = arith.constant 0 : index
    %swap3A_48 = vector.load %arg10[%swap3A, %swap3A_47] : memref<512x1024xf32, #tpu.memory_space<vmem>>, vector<512x1024xf32>
    tpu.vector_store %arg10[%swap3A, %swap3A_47], %max3A_46 {strides = array<i32>} : memref<512x1024xf32, #tpu.memory_space<vmem>>, vector<512x1024xf32>,
    %get3A_49 = arith.constant 0 : index
    %get3A_50 = arith.constant 0 : index
    %get3A_51 = vector.load %arg9[%get3A_49, %get3A_50] : memref<512x1xf32, #tpu.memory_space<vmem>>, vector<512x1xf32>
    %mul3A_52 = vector.broadcast %get3A_51 : vector<512x1xf32> to vector<512x1024xf32>
    %mul3A_53 = arith.mulf %max3A_46, %mul3A_52 : vector<512x1024xf32>
    %eq3A = arith.constant 0 : i32
    %eq3A_54 = arith.cmpi eq, %arg0, %eq3A : i32
    %convert_element_type3A = arith.extui %eq3A_54 : i1 to i32
    %cond3A = arith.constant 0 : i32
    %cond3A_55 = arith.cmpi ne, %convert_element_type3A, %cond3A : i32
    scf.if %cond3A_55 {
      %broadcast_in_dim3A_88 = arith.constant 0.000000e+00 : f32
      %broadcast_in_dim3A_89 = vector.broadcast %broadcast_in_dim3A_88 : f32 to vector<1x1024xf32>
      %swap3A_90 = arith.constant 0 : index
      %swap3A_91 = arith.constant 0 : index
      %swap3A_92 = vector.load %arg11[%swap3A_90, %swap3A_91] : memref<1x1024xf32, #tpu.memory_space<vmem>>, vector<1x1024xf32>
      tpu.vector_store %arg11[%swap3A_90, %swap3A_91], %broadcast_in_dim3A_89 {strides = array<i32>} : memref<1x1024xf32, #tpu.memory_space<vmem>>, vector<1x1024xf32>,
      %broadcast_in_dim3A_93 = arith.constant 0.000000e+00 : f32
      %broadcast_in_dim3A_94 = vector.broadcast %broadcast_in_dim3A_93 : f32 to vector<1x1024xf32>
      %swap3A_95 = arith.constant 0 : index
      %swap3A_96 = arith.constant 0 : index
      %swap3A_97 = vector.load %arg12[%swap3A_95, %swap3A_96] : memref<1x1024xf32, #tpu.memory_space<vmem>>, vector<1x1024xf32>
      tpu.vector_store %arg12[%swap3A_95, %swap3A_96], %broadcast_in_dim3A_94 {strides = array<i32>} : memref<1x1024xf32, #tpu.memory_space<vmem>>, vector<1x1024xf32>,
      %broadcast_in_dim3A_98 = arith.constant 0.000000e+00 : f32
      %broadcast_in_dim3A_99 = vector.broadcast %broadcast_in_dim3A_98 : f32 to vector<1x1xf32>
      %swap3A_100 = arith.constant 0 : index
      %swap3A_101 = arith.constant 0 : index
      %swap3A_102 = vector.load %arg13[%swap3A_100, %swap3A_101] : memref<1x1xf32, #tpu.memory_space<vmem>>, vector<1x1xf32>
      tpu.vector_store %arg13[%swap3A_100, %swap3A_101], %broadcast_in_dim3A_99 {strides = array<i32>} : memref<1x1xf32, #tpu.memory_space<vmem>>, vector<1x1xf32>,
    } else {
    }
    %get3A_56 = arith.constant 0 : index
    %get3A_57 = arith.constant 0 : index
    %get3A_58 = vector.load %arg11[%get3A_56, %get3A_57] : memref<1x1024xf32, #tpu.memory_space<vmem>>, vector<1x1024xf32>
    %reduce_sum3A = arith.constant dense<0.000000e+00> : vector<1024xf32>
    %reduce_sum3A_59 = vector.multi_reduction <add>, %mul3A_53, %reduce_sum3A [0] : vector<512x1024xf32> to vector<1024xf32>
    %broadcast_in_dim3A = vector.shape_cast %reduce_sum3A_59 : vector<1024xf32> to vector<1x1024xf32>
    %add3A_60 = arith.addf %get3A_58, %broadcast_in_dim3A : vector<1x1024xf32>
    %swap3A_61 = arith.constant 0 : index
    %swap3A_62 = arith.constant 0 : index
    %swap3A_63 = vector.load %arg11[%swap3A_61, %swap3A_62] : memref<1x1024xf32, #tpu.memory_space<vmem>>, vector<1x1024xf32>
    tpu.vector_store %arg11[%swap3A_61, %swap3A_62], %add3A_60 {strides = array<i32>} : memref<1x1024xf32, #tpu.memory_space<vmem>>, vector<1x1024xf32>,
    %get3A_64 = arith.constant 0 : index
    %get3A_65 = arith.constant 0 : index
    %get3A_66 = vector.load %arg12[%get3A_64, %get3A_65] : memref<1x1024xf32, #tpu.memory_space<vmem>>, vector<1x1024xf32>
    %mul3A_67 = arith.mulf %mul3A_53, %max3A_46 : vector<512x1024xf32>
    %reduce_sum3A_68 = arith.constant dense<0.000000e+00> : vector<1024xf32>
    %reduce_sum3A_69 = vector.multi_reduction <add>, %mul3A_67, %reduce_sum3A_68 [0] : vector<512x1024xf32> to vector<1024xf32>
    %broadcast_in_dim3A_70 = vector.shape_cast %reduce_sum3A_69 : vector<1024xf32> to vector<1x1024xf32>
    %add3A_71 = arith.addf %get3A_66, %broadcast_in_dim3A_70 : vector<1x1024xf32>
    %swap3A_72 = arith.constant 0 : index
    %swap3A_73 = arith.constant 0 : index
    %swap3A_74 = vector.load %arg12[%swap3A_72, %swap3A_73] : memref<1x1024xf32, #tpu.memory_space<vmem>>, vector<1x1024xf32>
    tpu.vector_store %arg12[%swap3A_72, %swap3A_73], %add3A_71 {strides = array<i32>} : memref<1x1024xf32, #tpu.memory_space<vmem>>, vector<1x1024xf32>,
    %get3A_75 = arith.constant 0 : index
    %get3A_76 = arith.constant 0 : index
    %get3A_77 = vector.load %arg13[%get3A_75, %get3A_76] : memref<1x1xf32, #tpu.memory_space<vmem>>, vector<1x1xf32>
    %reduce_sum3A_78 = vector.shape_cast %get3A_51 : vector<512x1xf32> to vector<1x512x1xf32>
    %reduce_sum3A_79 = arith.constant dense<0.000000e+00> : vector<1xf32>
    %reduce_sum3A_80 = vector.multi_reduction <add>, %reduce_sum3A_78, %reduce_sum3A_79 [1, 2] : vector<1x512x1xf32> to vector<1xf32>
    %reduce_sum3A_81 = vector.shape_cast %reduce_sum3A_80 : vector<1xf32> to vector<1x1x1xf32>
    %reduce_sum3A_82 = vector.extract %reduce_sum3A_81[0, 0, 0] : f32 from vector<1x1x1xf32>
    %add3A_83 = vector.broadcast %reduce_sum3A_82 : f32 to vector<1x1xf32>
    %add3A_84 = arith.addf %get3A_77, %add3A_83 : vector<1x1xf32>
    %swap3A_85 = arith.constant 0 : index
    %swap3A_86 = arith.constant 0 : index
    %swap3A_87 = vector.load %arg13[%swap3A_85, %swap3A_86] : memref<1x1xf32, #tpu.memory_space<vmem>>, vector<1x1xf32>
    tpu.vector_store %arg13[%swap3A_85, %swap3A_86], %add3A_84 {strides = array<i32>} : memref<1x1xf32, #tpu.memory_space<vmem>>, vector<1x1xf32>,
    return
  }
  func.func @transform_0(%arg0: i32) -> (i32, i32) {
    %c0_i32 = arith.constant 0 : i32
    %c0_i32_0 = arith.constant 0 : i32
    return %arg0, %c0_i32 : i32, i32
  }
  func.func @transform_1(%arg0: i32) -> (i32, i32) {
    %c0_i32 = arith.constant 0 : i32
    %c0_i32_0 = arith.constant 0 : i32
    %c0_i32_1 = arith.constant 0 : i32
    return %c0_i32, %c0_i32_0 : i32, i32
  }
  func.func @transform_2(%arg0: i32) -> (i32, i32) {
    %c0_i32 = arith.constant 0 : i32
    %c0_i32_0 = arith.constant 0 : i32
    %c0_i32_1 = arith.constant 0 : i32
    return %c0_i32, %c0_i32_0 : i32, i32
  }
  func.func @transform_3(%arg0: i32) -> (i32, i32) {
    %c0_i32 = arith.constant 0 : i32
    %c0_i32_0 = arith.constant 0 : i32
    %c0_i32_1 = arith.constant 0 : i32
    return %c0_i32, %c0_i32_0 : i32, i32
  }
  func.func @transform_4(%arg0: i32) -> (i32, i32) {
    %c0_i32 = arith.constant 0 : i32
    %c0_i32_0 = arith.constant 0 : i32
    %c0_i32_1 = arith.constant 0 : i32
    return %c0_i32, %c0_i32_0 : i32, i32
  }
  func.func @transform_5(%arg0: i32) -> (i32, i32) {
    %c0_i32 = arith.constant 0 : i32
    %c0_i32_0 = arith.constant 0 : i32
    %c0_i32_1 = arith.constant 0 : i32
    return %c0_i32, %c0_i32_0 : i32, i32
  }
  func.func @transform_6(%arg0: i32) -> (i32, i32) {
    %c0_i32 = arith.constant 0 : i32
    %c0_i32_0 = arith.constant 0 : i32
    %c0_i32_1 = arith.constant 0 : i32
    return %c0_i32, %c0_i32_0 : i32, i32
  }
  func.func @transform_7(%arg0: i32) -> (i32, i32) {
    %c0_i32 = arith.constant 0 : i32
    %c0_i32_0 = arith.constant 0 : i32
    %c0_i32_1 = arith.constant 0 : i32
    return %c0_i32, %c0_i32_0 : i32, i32
  }
  func.func @transform_8(%arg0: i32) -> (i32, i32) {
    %c0_i32 = arith.constant 0 : i32
    %c0_i32_0 = arith.constant 0 : i32
    return %arg0, %c0_i32 : i32, i32
  }
  func.func @transform_9(%arg0: i32) -> (i32, i32) {
    %c0_i32 = arith.constant 0 : i32
    %c0_i32_0 = arith.constant 0 : i32
    return %arg0, %c0_i32 : i32, i32
  }
  func.func @transform_10(%arg0: i32) -> (i32, i32) {
    %c0_i32 = arith.constant 0 : i32
    %c0_i32_0 = arith.constant 0 : i32
    %c0_i32_1 = arith.constant 0 : i32
    return %c0_i32, %c0_i32_0 : i32, i32
  }
  func.func @transform_11(%arg0: i32) -> (i32, i32) {
    %c0_i32 = arith.constant 0 : i32
    %c0_i32_0 = arith.constant 0 : i32
    %c0_i32_1 = arith.constant 0 : i32
    return %c0_i32, %c0_i32_0 : i32, i32
  }
  func.func @transform_12(%arg0: i32) -> (i32, i32) {
    %c0_i32 = arith.constant 0 : i32
    %c0_i32_0 = arith.constant 0 : i32
    %c0_i32_1 = arith.constant 0 : i32
    return %c0_i32, %c0_i32_0 : i32, i32
  }
}

module attributes {stable_mosaic.version = 14 : i64} {
  func.func @_fused_kernel(%arg0: i32, %arg1: memref<512x1024xf32, #tpu.memory_space<vmem>>, %arg2: memref<1x1024xf32, #tpu.memory_space<vmem>>, %arg3: memref<1x1024xf32, #tpu.memory_space<vmem>>, %arg4: memref<1x1xf32, #tpu.memory_space<vmem>>, %arg5: memref<1x1024xf32, #tpu.memory_space<vmem>>, %arg6: memref<1x1024xf32, #tpu.memory_space<vmem>>, %arg7: memref<1024x256xf32, #tpu.memory_space<vmem>>, %arg8: memref<1x256xf32, #tpu.memory_space<vmem>>, %arg9: memref<512x1xf32, #tpu.memory_space<vmem>>, %arg10: memref<512x256xf32, #tpu.memory_space<vmem>>, %arg11: memref<1x256xf32, #tpu.memory_space<vmem>>, %arg12: memref<1x256xf32, #tpu.memory_space<vmem>>, %arg13: memref<1x1xf32, #tpu.memory_space<vmem>>) attributes {dimension_semantics = [#tpu.dimension_semantics<arbitrary>], iteration_bounds = array<i64: 16>, scalar_prefetch = 0 : i64, scratch_operands = 0 : i64, tpu.core_type = #tpu.core_type<tc>, window_params = [{transform_indices = @transform_0, window_bounds = array<i64: 512, 1024>}, {pipeline_mode = #tpu.pipeline_mode<synchronous>, transform_indices = @transform_1, window_bounds = array<i64: 1, 1024>}, {pipeline_mode = #tpu.pipeline_mode<synchronous>, transform_indices = @transform_2, window_bounds = array<i64: 1, 1024>}, {pipeline_mode = #tpu.pipeline_mode<synchronous>, transform_indices = @transform_3, window_bounds = array<i64: 1, 1>}, {pipeline_mode = #tpu.pipeline_mode<synchronous>, transform_indices = @transform_4, window_bounds = array<i64: 1, 1024>}, {pipeline_mode = #tpu.pipeline_mode<synchronous>, transform_indices = @transform_5, window_bounds = array<i64: 1, 1024>}, {pipeline_mode = #tpu.pipeline_mode<synchronous>, transform_indices = @transform_6, window_bounds = array<i64: 1024, 256>}, {pipeline_mode = #tpu.pipeline_mode<synchronous>, transform_indices = @transform_7, window_bounds = array<i64: 1, 256>}, {transform_indices = @transform_8, window_bounds = array<i64: 512, 1>}, {transform_indices = @transform_9, window_bounds = array<i64: 512, 256>}, {pipeline_mode = #tpu.pipeline_mode<synchronous>, transform_indices = @transform_10, window_bounds = array<i64: 1, 256>}, {pipeline_mode = #tpu.pipeline_mode<synchronous>, transform_indices = @transform_11, window_bounds = array<i64: 1, 256>}, {pipeline_mode = #tpu.pipeline_mode<synchronous>, transform_indices = @transform_12, window_bounds = array<i64: 1, 1>}]} {
    %get3A = arith.constant 0 : index
    %get3A_0 = arith.constant 0 : index
    %get3A_1 = vector.load %arg1[%get3A, %get3A_0] : memref<512x1024xf32, #tpu.memory_space<vmem>>, vector<512x1024xf32>
    %get3A_2 = arith.constant 0 : index
    %get3A_3 = arith.constant 0 : index
    %get3A_4 = vector.load %arg2[%get3A_2, %get3A_3] : memref<1x1024xf32, #tpu.memory_space<vmem>>, vector<1x1024xf32>
    %get3A_5 = arith.constant 0 : index
    %get3A_6 = arith.constant 0 : index
    %get3A_7 = vector.load %arg3[%get3A_5, %get3A_6] : memref<1x1024xf32, #tpu.memory_space<vmem>>, vector<1x1024xf32>
    %get3A_8 = arith.constant 0 : index
    %get3A_9 = arith.constant 0 : index
    %get3A_10 = vector.load %arg4[%get3A_8, %get3A_9] : memref<1x1xf32, #tpu.memory_space<vmem>>, vector<1x1xf32>
    %get3A_11 = vector.extract %get3A_10[0, 0] : f32 from vector<1x1xf32>
    %get3A_12 = arith.constant 0 : index
    %get3A_13 = arith.constant 0 : index
    %get3A_14 = vector.load %arg5[%get3A_12, %get3A_13] : memref<1x1024xf32, #tpu.memory_space<vmem>>, vector<1x1024xf32>
    %get3A_15 = arith.constant 0 : index
    %get3A_16 = arith.constant 0 : index
    %get3A_17 = vector.load %arg6[%get3A_15, %get3A_16] : memref<1x1024xf32, #tpu.memory_space<vmem>>, vector<1x1024xf32>
    %max3A = arith.constant 1.000000e+00 : f32
    %max3A_18 = arith.maximumf %get3A_11, %max3A : f32
    %div3A = vector.broadcast %max3A_18 : f32 to vector<1x1024xf32>
    %div3A_19 = arith.divf %get3A_4, %div3A : vector<1x1024xf32>
    %div3A_20 = vector.broadcast %max3A_18 : f32 to vector<1x1024xf32>
    %div3A_21 = arith.divf %get3A_7, %div3A_20 : vector<1x1024xf32>
    %mul3A = arith.mulf %div3A_19, %div3A_19 : vector<1x1024xf32>
    %sub3A = arith.subf %div3A_21, %mul3A : vector<1x1024xf32>
    %max3A_22 = arith.constant 0.000000e+00 : f32
    %max3A_23 = vector.broadcast %max3A_22 : f32 to vector<1x1024xf32>
    %max3A_24 = arith.maximumf %sub3A, %max3A_23 : vector<1x1024xf32>
    %add3A = arith.constant 9.99999974E-6 : f32
    %add3A_25 = vector.broadcast %add3A : f32 to vector<1x1024xf32>
    %add3A_26 = arith.addf %max3A_24, %add3A_25 : vector<1x1024xf32>
    %rsqrt3A = math.rsqrt %add3A_26 : vector<1x1024xf32>
    %sub3A_27 = vector.broadcast %div3A_19 : vector<1x1024xf32> to vector<512x1024xf32>
    %sub3A_28 = arith.subf %get3A_1, %sub3A_27 : vector<512x1024xf32>
    %mul3A_29 = vector.broadcast %rsqrt3A : vector<1x1024xf32> to vector<512x1024xf32>
    %mul3A_30 = arith.mulf %sub3A_28, %mul3A_29 : vector<512x1024xf32>
    %mul3A_31 = vector.broadcast %get3A_14 : vector<1x1024xf32> to vector<512x1024xf32>
    %mul3A_32 = arith.mulf %mul3A_30, %mul3A_31 : vector<512x1024xf32>
    %add3A_33 = vector.broadcast %get3A_17 : vector<1x1024xf32> to vector<512x1024xf32>
    %add3A_34 = arith.addf %mul3A_32, %add3A_33 : vector<512x1024xf32>
    %get3A_35 = arith.constant 0 : index
    %get3A_36 = arith.constant 0 : index
    %get3A_37 = vector.load %arg7[%get3A_35, %get3A_36] : memref<1024x256xf32, #tpu.memory_space<vmem>>, vector<1024x256xf32>
    %dot_general3A = arith.constant dense<0.000000e+00> : vector<512x256xf32>
    %dot_general3A_38 = tpu.matmul %add3A_34, %get3A_37, %dot_general3A {dimension_numbers = #tpu.dot_dimension_numbers<[1], [0], [0], [1], [0, 0, 1, 1], [], []>, transpose_lhs_hint = false} : vector<512x1024xf32>, vector<1024x256xf32>, vector<512x256xf32> -> vector<512x256xf32>
    %get3A_39 = arith.constant 0 : index
    %get3A_40 = arith.constant 0 : index
    %get3A_41 = vector.load %arg8[%get3A_39, %get3A_40] : memref<1x256xf32, #tpu.memory_space<vmem>>, vector<1x256xf32>
    %add3A_42 = vector.broadcast %get3A_41 : vector<1x256xf32> to vector<512x256xf32>
    %add3A_43 = arith.addf %dot_general3A_38, %add3A_42 : vector<512x256xf32>
    %max3A_44 = arith.constant 0.000000e+00 : f32
    %max3A_45 = vector.broadcast %max3A_44 : f32 to vector<512x256xf32>
    %max3A_46 = arith.maximumf %add3A_43, %max3A_45 : vector<512x256xf32>
    %swap3A = arith.constant 0 : index
    %swap3A_47 = arith.constant 0 : index
    %swap3A_48 = vector.load %arg10[%swap3A, %swap3A_47] : memref<512x256xf32, #tpu.memory_space<vmem>>, vector<512x256xf32>
    tpu.vector_store %arg10[%swap3A, %swap3A_47], %max3A_46 {strides = array<i32>} : memref<512x256xf32, #tpu.memory_space<vmem>>, vector<512x256xf32>,
    %get3A_49 = arith.constant 0 : index
    %get3A_50 = arith.constant 0 : index
    %get3A_51 = vector.load %arg9[%get3A_49, %get3A_50] : memref<512x1xf32, #tpu.memory_space<vmem>>, vector<512x1xf32>
    %mul3A_52 = vector.broadcast %get3A_51 : vector<512x1xf32> to vector<512x256xf32>
    %mul3A_53 = arith.mulf %max3A_46, %mul3A_52 : vector<512x256xf32>
    %eq3A = arith.constant 0 : i32
    %eq3A_54 = arith.cmpi eq, %arg0, %eq3A : i32
    %convert_element_type3A = arith.extui %eq3A_54 : i1 to i32
    %cond3A = arith.constant 0 : i32
    %cond3A_55 = arith.cmpi ne, %convert_element_type3A, %cond3A : i32
    scf.if %cond3A_55 {
      %broadcast_in_dim3A_88 = arith.constant 0.000000e+00 : f32
      %broadcast_in_dim3A_89 = vector.broadcast %broadcast_in_dim3A_88 : f32 to vector<1x256xf32>
      %swap3A_90 = arith.constant 0 : index
      %swap3A_91 = arith.constant 0 : index
      %swap3A_92 = vector.load %arg11[%swap3A_90, %swap3A_91] : memref<1x256xf32, #tpu.memory_space<vmem>>, vector<1x256xf32>
      tpu.vector_store %arg11[%swap3A_90, %swap3A_91], %broadcast_in_dim3A_89 {strides = array<i32>} : memref<1x256xf32, #tpu.memory_space<vmem>>, vector<1x256xf32>,
      %broadcast_in_dim3A_93 = arith.constant 0.000000e+00 : f32
      %broadcast_in_dim3A_94 = vector.broadcast %broadcast_in_dim3A_93 : f32 to vector<1x256xf32>
      %swap3A_95 = arith.constant 0 : index
      %swap3A_96 = arith.constant 0 : index
      %swap3A_97 = vector.load %arg12[%swap3A_95, %swap3A_96] : memref<1x256xf32, #tpu.memory_space<vmem>>, vector<1x256xf32>
      tpu.vector_store %arg12[%swap3A_95, %swap3A_96], %broadcast_in_dim3A_94 {strides = array<i32>} : memref<1x256xf32, #tpu.memory_space<vmem>>, vector<1x256xf32>,
      %broadcast_in_dim3A_98 = arith.constant 0.000000e+00 : f32
      %broadcast_in_dim3A_99 = vector.broadcast %broadcast_in_dim3A_98 : f32 to vector<1x1xf32>
      %swap3A_100 = arith.constant 0 : index
      %swap3A_101 = arith.constant 0 : index
      %swap3A_102 = vector.load %arg13[%swap3A_100, %swap3A_101] : memref<1x1xf32, #tpu.memory_space<vmem>>, vector<1x1xf32>
      tpu.vector_store %arg13[%swap3A_100, %swap3A_101], %broadcast_in_dim3A_99 {strides = array<i32>} : memref<1x1xf32, #tpu.memory_space<vmem>>, vector<1x1xf32>,
    } else {
    }
    %get3A_56 = arith.constant 0 : index
    %get3A_57 = arith.constant 0 : index
    %get3A_58 = vector.load %arg11[%get3A_56, %get3A_57] : memref<1x256xf32, #tpu.memory_space<vmem>>, vector<1x256xf32>
    %reduce_sum3A = arith.constant dense<0.000000e+00> : vector<256xf32>
    %reduce_sum3A_59 = vector.multi_reduction <add>, %mul3A_53, %reduce_sum3A [0] : vector<512x256xf32> to vector<256xf32>
    %broadcast_in_dim3A = vector.shape_cast %reduce_sum3A_59 : vector<256xf32> to vector<1x256xf32>
    %add3A_60 = arith.addf %get3A_58, %broadcast_in_dim3A : vector<1x256xf32>
    %swap3A_61 = arith.constant 0 : index
    %swap3A_62 = arith.constant 0 : index
    %swap3A_63 = vector.load %arg11[%swap3A_61, %swap3A_62] : memref<1x256xf32, #tpu.memory_space<vmem>>, vector<1x256xf32>
    tpu.vector_store %arg11[%swap3A_61, %swap3A_62], %add3A_60 {strides = array<i32>} : memref<1x256xf32, #tpu.memory_space<vmem>>, vector<1x256xf32>,
    %get3A_64 = arith.constant 0 : index
    %get3A_65 = arith.constant 0 : index
    %get3A_66 = vector.load %arg12[%get3A_64, %get3A_65] : memref<1x256xf32, #tpu.memory_space<vmem>>, vector<1x256xf32>
    %mul3A_67 = arith.mulf %mul3A_53, %max3A_46 : vector<512x256xf32>
    %reduce_sum3A_68 = arith.constant dense<0.000000e+00> : vector<256xf32>
    %reduce_sum3A_69 = vector.multi_reduction <add>, %mul3A_67, %reduce_sum3A_68 [0] : vector<512x256xf32> to vector<256xf32>
    %broadcast_in_dim3A_70 = vector.shape_cast %reduce_sum3A_69 : vector<256xf32> to vector<1x256xf32>
    %add3A_71 = arith.addf %get3A_66, %broadcast_in_dim3A_70 : vector<1x256xf32>
    %swap3A_72 = arith.constant 0 : index
    %swap3A_73 = arith.constant 0 : index
    %swap3A_74 = vector.load %arg12[%swap3A_72, %swap3A_73] : memref<1x256xf32, #tpu.memory_space<vmem>>, vector<1x256xf32>
    tpu.vector_store %arg12[%swap3A_72, %swap3A_73], %add3A_71 {strides = array<i32>} : memref<1x256xf32, #tpu.memory_space<vmem>>, vector<1x256xf32>,
    %get3A_75 = arith.constant 0 : index
    %get3A_76 = arith.constant 0 : index
    %get3A_77 = vector.load %arg13[%get3A_75, %get3A_76] : memref<1x1xf32, #tpu.memory_space<vmem>>, vector<1x1xf32>
    %reduce_sum3A_78 = vector.shape_cast %get3A_51 : vector<512x1xf32> to vector<1x512x1xf32>
    %reduce_sum3A_79 = arith.constant dense<0.000000e+00> : vector<1xf32>
    %reduce_sum3A_80 = vector.multi_reduction <add>, %reduce_sum3A_78, %reduce_sum3A_79 [1, 2] : vector<1x512x1xf32> to vector<1xf32>
    %reduce_sum3A_81 = vector.shape_cast %reduce_sum3A_80 : vector<1xf32> to vector<1x1x1xf32>
    %reduce_sum3A_82 = vector.extract %reduce_sum3A_81[0, 0, 0] : f32 from vector<1x1x1xf32>
    %add3A_83 = vector.broadcast %reduce_sum3A_82 : f32 to vector<1x1xf32>
    %add3A_84 = arith.addf %get3A_77, %add3A_83 : vector<1x1xf32>
    %swap3A_85 = arith.constant 0 : index
    %swap3A_86 = arith.constant 0 : index
    %swap3A_87 = vector.load %arg13[%swap3A_85, %swap3A_86] : memref<1x1xf32, #tpu.memory_space<vmem>>, vector<1x1xf32>
    tpu.vector_store %arg13[%swap3A_85, %swap3A_86], %add3A_84 {strides = array<i32>} : memref<1x1xf32, #tpu.memory_space<vmem>>, vector<1x1xf32>,
    return
  }
  func.func @transform_0(%arg0: i32) -> (i32, i32) {
    %c0_i32 = arith.constant 0 : i32
    %c0_i32_0 = arith.constant 0 : i32
    return %arg0, %c0_i32 : i32, i32
  }
  func.func @transform_1(%arg0: i32) -> (i32, i32) {
    %c0_i32 = arith.constant 0 : i32
    %c0_i32_0 = arith.constant 0 : i32
    %c0_i32_1 = arith.constant 0 : i32
    return %c0_i32, %c0_i32_0 : i32, i32
  }
  func.func @transform_2(%arg0: i32) -> (i32, i32) {
    %c0_i32 = arith.constant 0 : i32
    %c0_i32_0 = arith.constant 0 : i32
    %c0_i32_1 = arith.constant 0 : i32
    return %c0_i32, %c0_i32_0 : i32, i32
  }
  func.func @transform_3(%arg0: i32) -> (i32, i32) {
    %c0_i32 = arith.constant 0 : i32
    %c0_i32_0 = arith.constant 0 : i32
    %c0_i32_1 = arith.constant 0 : i32
    return %c0_i32, %c0_i32_0 : i32, i32
  }
  func.func @transform_4(%arg0: i32) -> (i32, i32) {
    %c0_i32 = arith.constant 0 : i32
    %c0_i32_0 = arith.constant 0 : i32
    %c0_i32_1 = arith.constant 0 : i32
    return %c0_i32, %c0_i32_0 : i32, i32
  }
  func.func @transform_5(%arg0: i32) -> (i32, i32) {
    %c0_i32 = arith.constant 0 : i32
    %c0_i32_0 = arith.constant 0 : i32
    %c0_i32_1 = arith.constant 0 : i32
    return %c0_i32, %c0_i32_0 : i32, i32
  }
  func.func @transform_6(%arg0: i32) -> (i32, i32) {
    %c0_i32 = arith.constant 0 : i32
    %c0_i32_0 = arith.constant 0 : i32
    %c0_i32_1 = arith.constant 0 : i32
    return %c0_i32, %c0_i32_0 : i32, i32
  }
  func.func @transform_7(%arg0: i32) -> (i32, i32) {
    %c0_i32 = arith.constant 0 : i32
    %c0_i32_0 = arith.constant 0 : i32
    %c0_i32_1 = arith.constant 0 : i32
    return %c0_i32, %c0_i32_0 : i32, i32
  }
  func.func @transform_8(%arg0: i32) -> (i32, i32) {
    %c0_i32 = arith.constant 0 : i32
    %c0_i32_0 = arith.constant 0 : i32
    return %arg0, %c0_i32 : i32, i32
  }
  func.func @transform_9(%arg0: i32) -> (i32, i32) {
    %c0_i32 = arith.constant 0 : i32
    %c0_i32_0 = arith.constant 0 : i32
    return %arg0, %c0_i32 : i32, i32
  }
  func.func @transform_10(%arg0: i32) -> (i32, i32) {
    %c0_i32 = arith.constant 0 : i32
    %c0_i32_0 = arith.constant 0 : i32
    %c0_i32_1 = arith.constant 0 : i32
    return %c0_i32, %c0_i32_0 : i32, i32
  }
  func.func @transform_11(%arg0: i32) -> (i32, i32) {
    %c0_i32 = arith.constant 0 : i32
    %c0_i32_0 = arith.constant 0 : i32
    %c0_i32_1 = arith.constant 0 : i32
    return %c0_i32, %c0_i32_0 : i32, i32
  }
  func.func @transform_12(%arg0: i32) -> (i32, i32) {
    %c0_i32 = arith.constant 0 : i32
    %c0_i32_0 = arith.constant 0 : i32
    %c0_i32_1 = arith.constant 0 : i32
    return %c0_i32, %c0_i32_0 : i32, i32
  }
}

module attributes {stable_mosaic.version = 14 : i64} {
  func.func @_bn_kernel(%arg0: i32, %arg1: memref<512x256xf32, #tpu.memory_space<vmem>>, %arg2: memref<1x256xf32, #tpu.memory_space<vmem>>, %arg3: memref<1x256xf32, #tpu.memory_space<vmem>>, %arg4: memref<1x1xf32, #tpu.memory_space<vmem>>, %arg5: memref<1x256xf32, #tpu.memory_space<vmem>>, %arg6: memref<1x256xf32, #tpu.memory_space<vmem>>, %arg7: memref<512x256xf32, #tpu.memory_space<vmem>>) attributes {dimension_semantics = [#tpu.dimension_semantics<arbitrary>], iteration_bounds = array<i64: 16>, scalar_prefetch = 0 : i64, scratch_operands = 0 : i64, tpu.core_type = #tpu.core_type<tc>, window_params = [{transform_indices = @transform_0, window_bounds = array<i64: 512, 256>}, {pipeline_mode = #tpu.pipeline_mode<synchronous>, transform_indices = @transform_1, window_bounds = array<i64: 1, 256>}, {pipeline_mode = #tpu.pipeline_mode<synchronous>, transform_indices = @transform_2, window_bounds = array<i64: 1, 256>}, {pipeline_mode = #tpu.pipeline_mode<synchronous>, transform_indices = @transform_3, window_bounds = array<i64: 1, 1>}, {pipeline_mode = #tpu.pipeline_mode<synchronous>, transform_indices = @transform_4, window_bounds = array<i64: 1, 256>}, {pipeline_mode = #tpu.pipeline_mode<synchronous>, transform_indices = @transform_5, window_bounds = array<i64: 1, 256>}, {transform_indices = @transform_6, window_bounds = array<i64: 512, 256>}]} {
    %get3A = arith.constant 0 : index
    %get3A_0 = arith.constant 0 : index
    %get3A_1 = vector.load %arg1[%get3A, %get3A_0] : memref<512x256xf32, #tpu.memory_space<vmem>>, vector<512x256xf32>
    %get3A_2 = arith.constant 0 : index
    %get3A_3 = arith.constant 0 : index
    %get3A_4 = vector.load %arg2[%get3A_2, %get3A_3] : memref<1x256xf32, #tpu.memory_space<vmem>>, vector<1x256xf32>
    %get3A_5 = arith.constant 0 : index
    %get3A_6 = arith.constant 0 : index
    %get3A_7 = vector.load %arg3[%get3A_5, %get3A_6] : memref<1x256xf32, #tpu.memory_space<vmem>>, vector<1x256xf32>
    %get3A_8 = arith.constant 0 : index
    %get3A_9 = arith.constant 0 : index
    %get3A_10 = vector.load %arg4[%get3A_8, %get3A_9] : memref<1x1xf32, #tpu.memory_space<vmem>>, vector<1x1xf32>
    %get3A_11 = vector.extract %get3A_10[0, 0] : f32 from vector<1x1xf32>
    %get3A_12 = arith.constant 0 : index
    %get3A_13 = arith.constant 0 : index
    %get3A_14 = vector.load %arg5[%get3A_12, %get3A_13] : memref<1x256xf32, #tpu.memory_space<vmem>>, vector<1x256xf32>
    %get3A_15 = arith.constant 0 : index
    %get3A_16 = arith.constant 0 : index
    %get3A_17 = vector.load %arg6[%get3A_15, %get3A_16] : memref<1x256xf32, #tpu.memory_space<vmem>>, vector<1x256xf32>
    %max3A = arith.constant 1.000000e+00 : f32
    %max3A_18 = arith.maximumf %get3A_11, %max3A : f32
    %div3A = vector.broadcast %max3A_18 : f32 to vector<1x256xf32>
    %div3A_19 = arith.divf %get3A_4, %div3A : vector<1x256xf32>
    %div3A_20 = vector.broadcast %max3A_18 : f32 to vector<1x256xf32>
    %div3A_21 = arith.divf %get3A_7, %div3A_20 : vector<1x256xf32>
    %mul3A = arith.mulf %div3A_19, %div3A_19 : vector<1x256xf32>
    %sub3A = arith.subf %div3A_21, %mul3A : vector<1x256xf32>
    %max3A_22 = arith.constant 0.000000e+00 : f32
    %max3A_23 = vector.broadcast %max3A_22 : f32 to vector<1x256xf32>
    %max3A_24 = arith.maximumf %sub3A, %max3A_23 : vector<1x256xf32>
    %add3A = arith.constant 9.99999974E-6 : f32
    %add3A_25 = vector.broadcast %add3A : f32 to vector<1x256xf32>
    %add3A_26 = arith.addf %max3A_24, %add3A_25 : vector<1x256xf32>
    %rsqrt3A = math.rsqrt %add3A_26 : vector<1x256xf32>
    %sub3A_27 = vector.broadcast %div3A_19 : vector<1x256xf32> to vector<512x256xf32>
    %sub3A_28 = arith.subf %get3A_1, %sub3A_27 : vector<512x256xf32>
    %mul3A_29 = vector.broadcast %rsqrt3A : vector<1x256xf32> to vector<512x256xf32>
    %mul3A_30 = arith.mulf %sub3A_28, %mul3A_29 : vector<512x256xf32>
    %mul3A_31 = vector.broadcast %get3A_14 : vector<1x256xf32> to vector<512x256xf32>
    %mul3A_32 = arith.mulf %mul3A_30, %mul3A_31 : vector<512x256xf32>
    %add3A_33 = vector.broadcast %get3A_17 : vector<1x256xf32> to vector<512x256xf32>
    %add3A_34 = arith.addf %mul3A_32, %add3A_33 : vector<512x256xf32>
    %swap3A = arith.constant 0 : index
    %swap3A_35 = arith.constant 0 : index
    %swap3A_36 = vector.load %arg7[%swap3A, %swap3A_35] : memref<512x256xf32, #tpu.memory_space<vmem>>, vector<512x256xf32>
    tpu.vector_store %arg7[%swap3A, %swap3A_35], %add3A_34 {strides = array<i32>} : memref<512x256xf32, #tpu.memory_space<vmem>>, vector<512x256xf32>,
    return
  }
  func.func @transform_0(%arg0: i32) -> (i32, i32) {
    %c0_i32 = arith.constant 0 : i32
    %c0_i32_0 = arith.constant 0 : i32
    return %arg0, %c0_i32 : i32, i32
  }
  func.func @transform_1(%arg0: i32) -> (i32, i32) {
    %c0_i32 = arith.constant 0 : i32
    %c0_i32_0 = arith.constant 0 : i32
    %c0_i32_1 = arith.constant 0 : i32
    return %c0_i32, %c0_i32_0 : i32, i32
  }
  func.func @transform_2(%arg0: i32) -> (i32, i32) {
    %c0_i32 = arith.constant 0 : i32
    %c0_i32_0 = arith.constant 0 : i32
    %c0_i32_1 = arith.constant 0 : i32
    return %c0_i32, %c0_i32_0 : i32, i32
  }
  func.func @transform_3(%arg0: i32) -> (i32, i32) {
    %c0_i32 = arith.constant 0 : i32
    %c0_i32_0 = arith.constant 0 : i32
    %c0_i32_1 = arith.constant 0 : i32
    return %c0_i32, %c0_i32_0 : i32, i32
  }
  func.func @transform_4(%arg0: i32) -> (i32, i32) {
    %c0_i32 = arith.constant 0 : i32
    %c0_i32_0 = arith.constant 0 : i32
    %c0_i32_1 = arith.constant 0 : i32
    return %c0_i32, %c0_i32_0 : i32, i32
  }
  func.func @transform_5(%arg0: i32) -> (i32, i32) {
    %c0_i32 = arith.constant 0 : i32
    %c0_i32_0 = arith.constant 0 : i32
    %c0_i32_1 = arith.constant 0 : i32
    return %c0_i32, %c0_i32_0 : i32, i32
  }
  func.func @transform_6(%arg0: i32) -> (i32, i32) {
    %c0_i32 = arith.constant 0 : i32
    %c0_i32_0 = arith.constant 0 : i32
    return %arg0, %c0_i32 : i32, i32
  }
}

</mosaic_0001>

<sc_bundles>
// kernel: gather_offload_async_start.1
scs
__scs_entry_jumppad:
0x0: {  	(pc) =	sbr.rel $0x88, $3  }
0x1: {  	(tag) =	ssettag $0x0;
	lr =	simm.s32 $0x1  }
0x2: {  	[smem:$0x3F7B] =	sst lr;
	_ =	strace $0xD0000000  }
0x3: {  	_ = 	snop  }
0x4: {  	_ = 	snop  }
0x5: {  	_ = 	snop  }
0x6: {  	_ = 	snop  }
0x7: {  	_ = 	snop  }
__scs_overlays_trampoline_lowered:
0x8: {  	[smem:$0x3F8A] =	sst s0  }
0x9: {  	[smem:$0x3F8B] =	sst s1  }
0xa: {  	[smem:$0x3F8C] =	sst s2  }
0xb: {  	[smem:$0x3F8D] =	sst s3  }
0xc: {  	[smem:$0x3F8E] =	sst s4  }
0xd: {  	[smem:$0x3F8F] =	sst s5  }
0xe: {  	[smem:$0x3F90] =	sst s6  }
0xf: {  	[smem:$0x3F91] =	sst s7  }
0x10: {  	[smem:$0x3F92] =	sst s8  }
0x11: {  	[smem:$0x3F93] =	sst s9;
	s0 =	simm.s32 @!p0 $0x0  }
0x12: {  	s1 =	sld [smem:$0x3F79];
	s0 =	simm.s32 @p0 $0x1  }
0x13: {  	[smem:$0x3F94] =	sst s0;
	s0 =	simm.s32 @!p1 $0x0  }
0x14: {  	s2 =	sld [smem:$0x3F78];
	s0 =	simm.s32 @p1 $0x1  }
0x15: {  	[smem:$0x3F95] =	sst s0;
	s0 =	simm.s32 @!p2 $0x0  }
0x16: {  	s3 =	sld [smem:$0x3FDB];
	s0 =	simm.s32 @p2 $0x1  }
0x17: {  	s4 =	simm.s32 $0x1BF5;
	[smem:$0x3F97] =	sst s0  }
0x18: {  	s0 =	sld [smem:$0x3F7A];
	_ =	swait.ge [sflag:s4], $0x0  }
0x19: {  	s7 =	sld [smem:$0x3F7B]  }
0x1a: {  	s8 =	sadd.s32 $0xFFFFE003, lr  }
0x1b: {  	s9 =	sadd.s32 $0xFFFFFEF7, lr;
	s5 =	simm.s32 $0xFFFFFFFF;
	p2 =	slt.u32 s8, $0xFFFFF086  }
0x1c: {  	p1 =	slt.u32 s9, $0xF7A;
	s5 =	simm.s32 @!p2 $0x0  }
0x1d: {  	s5 =	simm.s32 @p1 $0x1;
	p0 =	seq.s32 s7, s2  }
0x1e: {  	s7 =	smul.u32 @!p0 $0xF7A, s2;
	p2 =	seq.s32 @!p0 s5, $0x0  }
0x1f: {  	s9 =	smul.u32 $0xF7A, s1;
	s8 =	simm.s32 @!p0 $0x1BF5;
	p2 =	por !p2, p0  }
0x20: {  	[sflag:s8] =	ssyncset.s32 @!p0 $0xFFFFF086;
	s6 =	sadd.s32 @!p0 s3, s7;
	s7 =	simm.s32 @!p0 $0x108  }
0x21: {  	s3 =	sadd.s32 s3, s9;
	s6 =	sadd.s32 @!p0 $0x88, s6;
	s7 =	simm.s32 @p2 $0x1082  }
0x22: {  	[simem:s7], [sflag:s8] =	dma.local @!p0 [hbm:s6], $0xF7A  }
0x23: {  	s9 =	sor.u32 $0xD0000000, s2;
	s6 =	simm.s32 $0x108;
	_ =	swait.ge @!p0 [sflag:s8], $0x0  }
0x24: {  	s3 =	sadd.s32 $0x88, s3;
	s6 =	simm.s32 @!p1 $0x1082;
	[sflag:s4] =	ssyncset.s32 $0xFFFFF086  }
0x25: {  	[simem:s6], [sflag:s4] =	dma.local [hbm:s3], $0xF7A  }
0x26: {  	[smem:$0x3F7B] =	sst s1;
	(tag) =	ssettag s2;
	_ =	strace s9  }
0x27: {  	s1 =	sld [smem:$0x3F8B]  }
0x28: {  	s2 =	sld [smem:$0x3F8C]  }
0x29: {  	s4 =	sld [smem:$0x3F8E]  }
0x2a: {  	p0 =	seq.s32 s5, $0x0;
	s5 =	sld [smem:$0x3F8F]  }
0x2b: {  	s6 =	sld [smem:$0x3F90]  }
0x2c: {  	s7 =	sld [smem:$0x3F91]  }
0x2d: {  	s3 =	simm.s32 $0x108;
	s8 =	sld [smem:$0x3F92]  }
0x2e: {  	s3 =	simm.s32 @!p0 $0x1082;
	s9 =	sld [smem:$0x3F93]  }
0x2f: {  	lr =	sadd.s32 s0, s3;
	s0 =	sld [smem:$0x3F8A]  }
0x30: {  	s3 =	sld [smem:$0x3F8D]  }
0x31: {  	[smem:$0x3F96] =	sst s10  }
0x32: {  	s10 =	sld [smem:$0x3F94];
	_ =	sdelay $0x3  }
0x33: {  	p0 =	seq.s32 s10, $0x1;
	s10 =	sld [smem:$0x3F96];
	_ =	sdelay $0x3  }
0x34: {  	[smem:$0x3F96] =	sst s10  }
0x35: {  	s10 =	sld [smem:$0x3F95];
	_ =	sdelay $0x3  }
0x36: {  	p1 =	seq.s32 s10, $0x1;
	s10 =	sld [smem:$0x3F96];
	_ =	sdelay $0x3  }
0x37: {  	[smem:$0x3F96] =	sst s10  }
0x38: {  	s10 =	sld [smem:$0x3F97]  }
0x39: {  	_ = 	snop;
	(pc) =	sbr.ind lr, $3  }
0x3a: {  	_ = 	snop  }
0x3b: {  	_ = 	snop  }
0x3c: {  	p2 =	seq.s32 s10, $0x1;
	s10 =	sld [smem:$0x3F96]  }
0x3d: {  	_ =	shalt  }
0x3e: {  	_ =	shalt  }
0x3f: {  	_ =	shalt  }
0x40: {  	_ =	shalt  }
0x41: {  	_ =	shalt  }
0x42: {  	_ =	shalt  }
0x43: {  	_ =	shalt  }
0x44: {  	_ =	shalt  }
0x45: {  	_ =	shalt  }
0x46: {  	_ =	shalt  }
0x47: {  	_ =	shalt  }
0x48: {  	_ =	shalt  }
0x49: {  	_ =	shalt  }
0x4a: {  	_ =	shalt  }
0x4b: {  	_ =	shalt  }
0x4c: {  	_ =	shalt  }
0x4d: {  	_ =	shalt  }
0x4e: {  	_ =	shalt  }
0x4f: {  	_ =	shalt  }
0x50: {  	_ =	shalt  }
0x51: {  	_ =	shalt  }
0x52: {  	_ =	shalt  }
0x53: {  	_ =	shalt  }
0x54: {  	_ =	shalt  }
0x55: {  	_ =	shalt  }
0x56: {  	_ =	shalt  }
0x57: {  	_ =	shalt  }
0x58: {  	_ =	shalt  }
0x59: {  	_ =	shalt  }
0x5a: {  	_ =	shalt  }
0x5b: {  	_ =	shalt  }
0x5c: {  	_ =	shalt  }
0x5d: {  	_ =	shalt  }
0x5e: {  	_ =	shalt  }
0x5f: {  	_ =	shalt  }
0x60: {  	_ =	shalt  }
0x61: {  	_ =	shalt  }
0x62: {  	_ =	shalt  }
0x63: {  	_ =	shalt  }
0x64: {  	_ =	shalt  }
0x65: {  	_ =	shalt  }
0x66: {  	_ =	shalt  }
0x67: {  	_ =	shalt  }
0x68: {  	_ =	shalt  }
0x69: {  	_ =	shalt  }
0x6a: {  	_ =	shalt  }
0x6b: {  	_ =	shalt  }
0x6c: {  	_ =	shalt  }
0x6d: {  	_ =	shalt  }
0x6e: {  	_ =	shalt  }
0x6f: {  	_ =	shalt  }
0x70: {  	_ =	shalt  }
0x71: {  	_ =	shalt  }
0x72: {  	_ =	shalt  }
0x73: {  	_ =	shalt  }
0x74: {  	_ =	shalt  }
0x75: {  	_ =	shalt  }
0x76: {  	_ =	shalt  }
0x77: {  	_ =	shalt  }
0x78: {  	_ =	shalt  }
0x79: {  	_ =	shalt  }
0x7a: {  	_ =	shalt  }
0x7b: {  	_ =	shalt  }
0x7c: {  	_ =	shalt  }
0x7d: {  	_ =	shalt  }
0x7e: {  	_ =	shalt  }
0x7f: {  	_ =	shalt  }
0x80: {  	_ =	shalt  }
0x81: {  	_ =	shalt  }
0x82: {  	_ =	shalt  }
0x83: {  	_ =	shalt  }
0x84: {  	_ =	shalt  }
0x85: {  	_ =	shalt  }
0x86: {  	_ =	shalt  }
0x87: {  	_ =	shalt  }
.Lfunc_end0:
.L_simem_size_0:
called_computation.2_lowered:
.L_overlay_start_0:
0x88: {  	s2 =	sld [smem:$0x3FD9]  }
0x89: {  	s3 =	sld [smem:$0x3FFE];
	_ =	sdelay $0x1  }
0x8a: {  	s1 =	srdreg.scid  }
0x8b: {  	s0 =	sand.u32 $0x1, s1  }
0x8c: {  	s17 =	sshll.u32 s0, $0xA;
	s2 =	sadd.s32 s3, s2  }
0x8d: {  	s2 =	sadd.s32 s2, s17  }
0x8e: {  	[smem:$0x3FA2] =	sst s2  }
0x8f: {  	_ = 	snop  }
0x90: {  	s2 =	sld [smem:$0x3FD0];
	(tm) =	ssettm $0x1  }
0x91: {  	s18 =	sld [smem:$0x3FFB];
	_ =	sdelay $0x3  }
0x92: {  	_ =	strace s18  }
0x93: {  	s3 =	sld [smem:$0x3FFC];
	_ =	sdelay $0x3  }
0x94: {  	_ =	strace s3  }
0x95: {  	s3 =	sld [smem:$0x3FFD];
	_ =	sdelay $0x3  }
0x96: {  	_ =	strace s3  }
0x97: {  	_ =	strace $0x8FFFFFFF  }
0x98: {  	s19 =	sld [smem:$0x3FDB];
	_ =	sdelay $0x1  }
0x99: {  	s4 =	simm.s32 $_scs_section_size  }
0x9a: {  	s5 =	simm.s32 $_size__tile_overlayer_lowered;
	s6 =	simm.s32 $_tile_overlayer_lowered  }
0x9b: {  	s22 =	simm.s32 $0x1BFF;
	s21 =	sshll.u32 s6, $0x1;
	s3 =	sadd.s32 s4, s19  }
0x9c: {  	s7 =	simm.s32 $0x0;
	s20 =	sshll.u32 s5, $0x1;
	s5 =	sadd.s32 s21, s3  }
0x9d: {  	[timem:s7], [sflag:s22] =	dma.local [hbm:s5], s20  }
0x9e: {  	_ =	swait.ge [sflag:s22], s20  }
0x9f: {  	s4 =	ssub.s32 $0x0, s20;
	[sflag:s22] =	ssyncset.done $0x0  }
0xa0: {  	[sflag:s22] =	ssyncadd.s32 s4;
	_ =	sdelay $0x1  }
0xa1: {  	s23 =	simm.s32 $0x1B8B  }
0xa2: {  	_ =	swait.ge [sflag:s23], $0x1  }
0xa3: {  	[sflag:s23] =	ssyncset.done $0x0  }
0xa4: {  	s25 =	simm.s32 $0x1B8E;
	s24 =	sld [smem:$0x3FFE];
	[sflag:s23] =	ssyncadd.s32 $0xFFFFFFFF  }
0xa5: {  	s26 =	simm.s32 $execute0_lowered;
	[smem:$0x3FD2] =	sst s25  }
0xa6: {  	s5 =	sshll.u32 s26, $0x1;
	_ =	strace $0x80000046;
	[dreg:$0x1] =	wrdreg $0xFFFFFFFF  }
0xa7: {  	s28 =	simm.s32 $_size_execute0_lowered;
	s3 =	sadd.s32 s3, s5;
	[dreg:$0x0] =	wrdreg $0x0  }
0xa8: {  	s5 =	sshll.u32 s28, $0x1;
	[dreg:$0x2] =	wrdreg s3  }
0xa9: {  	[dreg:$0x3] =	wrdreg s5  }
0xaa: {  	[dreg:$0x4] =	wrdreg $0xC0  }
0xab: {  	_ =	task [dreg:s7], $0x5FFFF  }
0xac: {  	[dreg:$0x1] =	wrdreg $0xFFFFFFFF  }
0xad: {  	[dreg:$0x0] =	wrdreg $0x60  }
0xae: {  	[dreg:$0x2] =	wrdreg s24  }
0xaf: {  	[dreg:$0x3] =	wrdreg s2  }
0xb0: {  	[dreg:$0x4] =	wrdreg $0x9  }
0xb1: {  	_ =	task.clear_ibuf [dreg:s7], $0x5FFFF;
	_ =	strace $0x90000046  }
0xb2: {  	s29 =	simm.s32 $0x9;
	_ =	strace $0x80000048  }
0xb3: {  	_ =	swait.ge [sflag:s29], $0x1  }
0xb4: {  	[sflag:s29] =	ssyncadd.s32 $0xFFFFFFFF  }
0xb5: {  	_ =	strace $0x90000048  }
0xb6: {  	_ =	sfence  }
0xb7: {  	s30 =	sld [smem:$0x0];
	_ =	sdelay $0x2  }
0xb8: {  	s31 =	sshll.u32 s1, $0xD;
	s1 =	sshrl.u32 s1, $0x2  }
0xb9: {  	s3 =	sand.u32 $0x4000, s31;
	s1 =	sadd.s32 s1, s30  }
0xba: {  	s0 =	sor.u32 s3, s0;
	s1 =	sshll.u32 s1, $0x11  }
0xbb: {  	s0 =	sor.u32 s1, s0  }
0xbc: {  	s0 =	sadd.s32 $0x8F2B, s0  }
0xbd: {  	[sflag:s0] =	ssyncadd.remote.s32 $0x1  }
0xbe: {  	_ =	sfence.sel $0xFFFF  }
0xbf: {  	[dreg:$0x0] =	wrdreg $0xFFFFFFFF;
	(pc) =	sbr.abs _section_cstart, $3  }
0xc0: {  	[dreg:$0x1] =	wrdreg $0xFFFFFFFF  }
0xc1: {  	_ =	task.clear_ibuf [dreg:s7], $0x2FFFF;
	_ =	strace $0x9FFFFFFF  }
0xc2: {  	(tm) =	ssettm $0x7FFFFFFF  }
0xc3: {  	_ =	shalt  }
tec
execute0_lowered:
.L_overlay_start_1:
0x0: {  	(tag) =	ssettag $0x1  }
0x1: {  	s2 =	rddreg [dreg:$0x0]  }
0x2: {  	s3 =	rddreg [dreg:$0x1]  }
0x3: {  	s0 =	rddreg [dreg:$0x2];
	s1 =	srdreg.scid;
	_ =	strace $0x80000047  }
0x4: {  	s4 =	simm.s32 $0x1;
	s9 =	simm.s32 $0x3;
	s5 =	sshll.u32 s1, $0x4  }
.Ltmp0:
0x5: {  	s1 =	stileid.u32;
	s5 =	sand.u32 $0x10, s5;
	(pc) =	sbr.rel .LBB2_1-.Ltmp0, $4  }
0x6: {  	s12 =	simm.s32 $0x0;
	s10 =	simm.s32 $0x0;
	s6 =	sor.u32 s1, s5  }
0x7: {  	[sflag:s4] =	ssyncpa.u1 $0x0;
	s5 =	simm.s32 $0x2;
	s6 =	sshll.u32 s6, $0x6  }
0x8: {  	s7 =	sadd.s32 $0x21000, s2;
	[sflag:s5] =	ssyncpa.u1 $0x0;
	s8 =	sadd.s32 $0x40, s6  }
0x9: {  	vm0 =	vmmov $0xff;
	vm1 =	vcmask $0x3F20;
	[sflag:s9] =	ssyncpa.u1 $0x0;
	s9 =	simm.s32 $0x40;
	s11 =	smov.u32 s6  }
.LBB2_9:
0xa: {  	p0 =	seq.s32 s10, $0x2  }
.Ltmp1:
0xb: {  	_ = 	snop;
	(pc) =	sbr.rel @p0 .LBB2_11-.Ltmp1, $1  }
0xc: {  	_ =	sdelay $0x3  }
.LBB2_10:
0xd: {  	s12 =	sadd.s32 $0x40, s11  }
0xe: {  	s13 =	smov.u32 s6;
	p0 =	slt.s32 s12, s8  }
0xf: {  	s13 =	smov.u32 @p0 s12  }
0x10: {  	s10 =	sadd.s32 $0x1, s10;
	s12 =	smov.u32 s11;
	s11 =	smov.u32 s13  }
.LBB2_1:
0x11: {  	p0 =	sne.s32 s10, $0x0  }
.Ltmp2:
0x12: {  	_ = 	snop;
	(pc) =	sbr.rel @!p0 .LBB2_2-.Ltmp2, $1  }
0x13: {  	_ =	sdelay $0x3  }
0x14: {  	s13 =	sand.u32 $0x1, s10  }
0x15: {  	p0 =	seq.s32 s13, $0x0  }
.Ltmp3:
0x16: {  	_ = 	snop;
	(pc) =	sbr.rel @p0 .LBB2_9-.Ltmp3, $1  }
0x17: {  	_ =	sdelay $0x3  }
0x18: {  	_ =	swait.ge [sflag:s5], $0x40  }
0x19: {  	[sflag:s5] =	ssyncset.done $0x0  }
0x1a: {  	s13 =	simm.s32 $0x0;
	[sflag:s5] =	ssyncadd.s32 $0xFFFFFFC0  }
0x1b: {  	v0 =	vld.msk [tilespmem:s13+$0x40 ss:$0x1], $0xffff;
	_ =	sdelay $0x4  }
0x1c: {  	v1 =	vshll.u32 v0, $0x4  }
0x1d: {  	vm2 =	veq.s32 v0, $0x80000000;
	v0 =	vshll.u32 v0, $0x11;
	v1 =	vand.u32 $0x1FF80, v1  }
0x1e: {  	v0 =	vand.u32 $0xE0000, v0;
	v1 =	vsel vm2, $0xFFFFFF80, v1  }
0x1f: {  	v0 =	vsel vm2, $0xFFFE0000, v0;
	v2 =	vand.u32 $0xFFFFFC00, v1  }
0x20: {  	v1 =	vand.u32 $0x380, v1;
	v0 =	vadd.s32 v0, v2  }
0x21: {  	v0 =	vor.u32 v1, v0  }
0x22: {  	v0 =	vshrl.u32 v0, $0x3;
	_ =	sdelay $0x3  }
0x23: {  	s13 =	simm.s32 $0x2080  }
0x24: {  	[tilespmem:s13], [sflag:$0x1] =	stream.indirect_vreg.gather [hbm:s2], $0x80, v0, vm0, $0x38;
	[tilespmem:$0x4080] =	vst v63  }
0x25: {  	s14 =	simm.s32 $0x2480;
	s31 =	simm.s32 $0x10  }
0x26: {  	[tilespmem:s14], [sflag:$0x1] =	stream.indirect_vreg.gather [hbm:s2], $0x80, v0, vm1, $0x38;
	[tilespmem:$0x4080] =	vst v63  }
0x27: {  	s14 =	simm.s32 $0x80;
	v0 =	vld.msk [tilespmem:s31+$0x40 ss:$0x1], $0xffff  }
.LBB2_5:
0x28: {  	p0 =	sne.s32 s14, $0xC0;
	_ =	sdelay $0x4  }
0x29: {  	v1 =	vshll.u32 v0, $0x4  }
0x2a: {  	vm2 =	veq.s32 v0, $0x80000000;
	v0 =	vshll.u32 v0, $0x11;
	v1 =	vand.u32 $0x1FF80, v1  }
0x2b: {  	v0 =	vand.u32 $0xE0000, v0;
	v1 =	vsel vm2, $0xFFFFFF80, v1  }
0x2c: {  	v0 =	vsel vm2, $0xFFFE0000, v0;
	v2 =	vand.u32 $0xFFFFFC00, v1  }
0x2d: {  	v1 =	vand.u32 $0x380, v1;
	v0 =	vadd.s32 v0, v2  }
0x2e: {  	v0 =	vor.u32 v1, v0  }
0x2f: {  	v0 =	vshrl.u32 v0, $0x3;
	_ =	sdelay $0x3  }
.Ltmp4:
0x30: {  	s13 =	sadd.s32 $0x800, s13;
	(pc) =	sbr.rel @p0 .LBB2_5-.Ltmp4, $4  }
0x31: {  	[tilespmem:s13], [sflag:$0x1] =	stream.indirect_vreg.gather [hbm:s2], $0x80, v0, vm0, $0x38;
	[tilespmem:$0x4080] =	vst v63  }
0x32: {  	s15 =	sshra.s32 s14, $0x2;
	s16 =	sadd.s32 $0x400, s13  }
0x33: {  	[tilespmem:s16], [sflag:$0x1] =	stream.indirect_vreg.gather [hbm:s2], $0x80, v0, vm1, $0x38;
	[tilespmem:$0x4080] =	vst v63  }
0x34: {  	s14 =	sadd.s32 $0x40, s14;
	v0 =	vld.msk [tilespmem:s15+$0x40 ss:$0x1], $0xffff  }
0x35: {  	_ =	sdelay $0x3  }
0x36: {  	v1 =	vshll.u32 v0, $0x4  }
0x37: {  	vm2 =	veq.s32 v0, $0x80000000;
	v63 =	vshll.u32 v0, $0x11;
	v1 =	vand.u32 $0x1FF80, v1  }
0x38: {  	v0 =	vand.u32 $0xE0000, v63;
	v1 =	vsel vm2, $0xFFFFFF80, v1  }
0x39: {  	v0 =	vsel vm2, $0xFFFE0000, v0;
	v2 =	vand.u32 $0xFFFFFC00, v1  }
0x3a: {  	v1 =	vand.u32 $0x380, v1;
	v0 =	vadd.s32 v0, v2  }
0x3b: {  	v0 =	vor.u32 v1, v0  }
0x3c: {  	v0 =	vshrl.u32 v0, $0x3;
	_ =	sdelay $0x3  }
0x3d: {  	s13 =	sadd.s32 $0x800, s13  }
0x3e: {  	[tilespmem:s13], [sflag:$0x1] =	stream.indirect_vreg.gather [hbm:s2], $0x80, v0, vm0, $0x38;
	[tilespmem:$0x4080] =	vst v63  }
0x3f: {  	s13 =	sadd.s32 $0x400, s13  }
0x40: {  	[tilespmem:s13], [sflag:$0x1] =	stream.indirect_vreg.gather [hbm:s2], $0x80, v0, vm1, $0x38;
	[tilespmem:$0x4080] =	vst v63  }
0x41: {  	s12 =	sshll.u32 s12, $0x4;
	s14 =	simm.s32 $0x80;
	_ =	swait.ge [sflag:s4], $0x2000  }
0x42: {  	s15 =	simm.s32 $0x2480;
	s12 =	sadd.s32 s12, s7;
	[sflag:s4] =	ssyncset.done $0x0  }
0x43: {  	s16 =	sadd.s32 $0x0, s12;
	s13 =	simm.s32 $0x2080;
	[sflag:s4] =	ssyncadd.s32 $0xFFFFE000  }
.LBB2_7:
0x44: {  	[hbm:s16] =	stream.linear.scatter [tilespmem:s13], [sflag:$0x3], $0x400, $0x38;
	[tilespmem:$0x4080] =	vst v63  }
0x45: {  	s16 =	smov.u32 s14;
	s13 =	smov.u32 s15;
	p0 =	sne.s32 s14, $0x380  }
.Ltmp5:
0x46: {  	s14 =	sadd.s32 $0x80, s14;
	(pc) =	sbr.rel @p0 .LBB2_7-.Ltmp5, $2  }
0x47: {  	_ =	sdelay $0x2  }
0x48: {  	s15 =	sadd.s32 $0x400, s15;
	s16 =	sadd.s32 s16, s12  }
.Ltmp6:
0x49: {  	(pc) =	sbr.rel .LBB2_9-.Ltmp6, $2  }
0x4a: {  	_ =	sdelay $0x2  }
0x4b: {  	[hbm:s16] =	stream.linear.scatter [tilespmem:s13], [sflag:$0x3], $0x400, $0x38;
	[tilespmem:$0x4080] =	vst v63  }
.LBB2_2:
.Ltmp7:
0x4c: {  	(pc) =	sbr.rel .LBB2_10-.Ltmp7, $4  }
0x4d: {  	_ = 	snop  }
0x4e: {  	s12 =	sshrl.u32 s11, $0x3  }
0x4f: {  	s13 =	sand.u32 $0x7, s11;
	s12 =	sadd.s32 s3, s12  }
0x50: {  	[tilespmem:s9], [sflag:$0x2] =	stream.linear.gather [hbm4b:s12+s13], $0x40, $0x38;
	[tilespmem:$0x4080] =	vst v63  }
.LBB2_11:
0x51: {  	s2 =	simm.s32 $0x3  }
0x52: {  	_ =	swait.ge [sflag:s2], $0x2000  }
0x53: {  	[sflag:s2] =	ssyncset.done $0x0  }
0x54: {  	[sflag:s2] =	ssyncadd.s32 $0xFFFFE000  }
0x55: {  	_ =	sfence.sel $0x180000  }
0x56: {  	s3 =	simm.s32 $0x2;
	[bflag:$0x0] =	sbarrier.arrive $0xFFFF  }
0x57: {  	[sflag:s3] =	ssyncpa.u1 $0x1  }
0x58: {  	s31 =	simm.s32 $0x1;
	[sflag:s2] =	ssyncpa.u1 $0x1  }
0x59: {  	[sflag:s31] =	ssyncpa.u1 $0x1  }
0x5a: {  	p0 =	sne.s32 s1, $0x0;
	_ =	strace $0x90000047  }
0x5b: {  	s0 =	sadd.s32 @!p0 $0x100000, s0;
	[bflag:$0x2] =	sbarrier.arrive $0xFFFF  }
0x5c: {  	[sflag:s0] =	ssyncadd.tile.s32 @!p0 $0x1;
	_ =	shalt  }
.Lfunc_end2:
_tile_overlayer_lowered:
.L_overlay_start_2:
0x5d: {  	(tag) =	ssettag $0x2  }
0x5e: {  	s0 =	rddreg [dreg:$0x0];
	s2 =	stileid.u32  }
0x5f: {  	s1 =	rddreg [dreg:$0x1];
	p0 =	sne.s32 s2, $0x0  }
0x60: {  	s3 =	rddreg [dreg:$0x2];
	[bflag:$0x3] =	sbarrier.arrive $0xFFFF;
	s2 =	simm.s32 @!p0 $0x1C01  }
0x61: {  	[timem:s3], [sflag:s2] =	dma.local @!p0 [hbm:s0], s1  }
0x62: {  	s0 =	simm.s32 @!p0 $0x1  }
0x63: {  	_ =	swait.ge @!p0 [sflag:s0], s1  }
0x64: {  	s1 =	ssub.s32 @!p0 $0x0, s1;
	[sflag:s0] =	ssyncset.done @!p0 $0x0  }
0x65: {  	[sflag:s0] =	ssyncadd.s32 @!p0 s1  }
0x66: {  	[bflag:$0x3] =	sbarrier.arrive $0xFFFF  }
0x67: {  	_ =	shalt  }

// kernel: gather_offload_async_start
scs
__scs_entry_jumppad:
0x0: {  	(pc) =	sbr.rel $0x88, $3  }
0x1: {  	(tag) =	ssettag $0x0;
	lr =	simm.s32 $0x1  }
0x2: {  	[smem:$0x3F7B] =	sst lr;
	_ =	strace $0xD0000000  }
0x3: {  	_ = 	snop  }
0x4: {  	_ = 	snop  }
0x5: {  	_ = 	snop  }
0x6: {  	_ = 	snop  }
0x7: {  	_ = 	snop  }
__scs_overlays_trampoline_lowered:
0x8: {  	[smem:$0x3F8A] =	sst s0  }
0x9: {  	[smem:$0x3F8B] =	sst s1  }
0xa: {  	[smem:$0x3F8C] =	sst s2  }
0xb: {  	[smem:$0x3F8D] =	sst s3  }
0xc: {  	[smem:$0x3F8E] =	sst s4  }
0xd: {  	[smem:$0x3F8F] =	sst s5  }
0xe: {  	[smem:$0x3F90] =	sst s6  }
0xf: {  	[smem:$0x3F91] =	sst s7  }
0x10: {  	[smem:$0x3F92] =	sst s8  }
0x11: {  	[smem:$0x3F93] =	sst s9;
	s0 =	simm.s32 @!p0 $0x0  }
0x12: {  	s1 =	sld [smem:$0x3F79];
	s0 =	simm.s32 @p0 $0x1  }
0x13: {  	[smem:$0x3F94] =	sst s0;
	s0 =	simm.s32 @!p1 $0x0  }
0x14: {  	s2 =	sld [smem:$0x3F78];
	s0 =	simm.s32 @p1 $0x1  }
0x15: {  	[smem:$0x3F95] =	sst s0;
	s0 =	simm.s32 @!p2 $0x0  }
0x16: {  	s3 =	sld [smem:$0x3FDB];
	s0 =	simm.s32 @p2 $0x1  }
0x17: {  	s4 =	simm.s32 $0x1BF5;
	[smem:$0x3F97] =	sst s0  }
0x18: {  	s0 =	sld [smem:$0x3F7A];
	_ =	swait.ge [sflag:s4], $0x0  }
0x19: {  	s7 =	sld [smem:$0x3F7B]  }
0x1a: {  	s8 =	sadd.s32 $0xFFFFE003, lr  }
0x1b: {  	s9 =	sadd.s32 $0xFFFFFEF7, lr;
	s5 =	simm.s32 $0xFFFFFFFF;
	p2 =	slt.u32 s8, $0xFFFFF086  }
0x1c: {  	p1 =	slt.u32 s9, $0xF7A;
	s5 =	simm.s32 @!p2 $0x0  }
0x1d: {  	s5 =	simm.s32 @p1 $0x1;
	p0 =	seq.s32 s7, s2  }
0x1e: {  	s7 =	smul.u32 @!p0 $0xF7A, s2;
	p2 =	seq.s32 @!p0 s5, $0x0  }
0x1f: {  	s9 =	smul.u32 $0xF7A, s1;
	s8 =	simm.s32 @!p0 $0x1BF5;
	p2 =	por !p2, p0  }
0x20: {  	[sflag:s8] =	ssyncset.s32 @!p0 $0xFFFFF086;
	s6 =	sadd.s32 @!p0 s3, s7;
	s7 =	simm.s32 @!p0 $0x108  }
0x21: {  	s3 =	sadd.s32 s3, s9;
	s6 =	sadd.s32 @!p0 $0x88, s6;
	s7 =	simm.s32 @p2 $0x1082  }
0x22: {  	[simem:s7], [sflag:s8] =	dma.local @!p0 [hbm:s6], $0xF7A  }
0x23: {  	s9 =	sor.u32 $0xD0000000, s2;
	s6 =	simm.s32 $0x108;
	_ =	swait.ge @!p0 [sflag:s8], $0x0  }
0x24: {  	s3 =	sadd.s32 $0x88, s3;
	s6 =	simm.s32 @!p1 $0x1082;
	[sflag:s4] =	ssyncset.s32 $0xFFFFF086  }
0x25: {  	[simem:s6], [sflag:s4] =	dma.local [hbm:s3], $0xF7A  }
0x26: {  	[smem:$0x3F7B] =	sst s1;
	(tag) =	ssettag s2;
	_ =	strace s9  }
0x27: {  	s1 =	sld [smem:$0x3F8B]  }
0x28: {  	s2 =	sld [smem:$0x3F8C]  }
0x29: {  	s4 =	sld [smem:$0x3F8E]  }
0x2a: {  	p0 =	seq.s32 s5, $0x0;
	s5 =	sld [smem:$0x3F8F]  }
0x2b: {  	s6 =	sld [smem:$0x3F90]  }
0x2c: {  	s7 =	sld [smem:$0x3F91]  }
0x2d: {  	s3 =	simm.s32 $0x108;
	s8 =	sld [smem:$0x3F92]  }
0x2e: {  	s3 =	simm.s32 @!p0 $0x1082;
	s9 =	sld [smem:$0x3F93]  }
0x2f: {  	lr =	sadd.s32 s0, s3;
	s0 =	sld [smem:$0x3F8A]  }
0x30: {  	s3 =	sld [smem:$0x3F8D]  }
0x31: {  	[smem:$0x3F96] =	sst s10  }
0x32: {  	s10 =	sld [smem:$0x3F94];
	_ =	sdelay $0x3  }
0x33: {  	p0 =	seq.s32 s10, $0x1;
	s10 =	sld [smem:$0x3F96];
	_ =	sdelay $0x3  }
0x34: {  	[smem:$0x3F96] =	sst s10  }
0x35: {  	s10 =	sld [smem:$0x3F95];
	_ =	sdelay $0x3  }
0x36: {  	p1 =	seq.s32 s10, $0x1;
	s10 =	sld [smem:$0x3F96];
	_ =	sdelay $0x3  }
0x37: {  	[smem:$0x3F96] =	sst s10  }
0x38: {  	s10 =	sld [smem:$0x3F97]  }
0x39: {  	_ = 	snop;
	(pc) =	sbr.ind lr, $3  }
0x3a: {  	_ = 	snop  }
0x3b: {  	_ = 	snop  }
0x3c: {  	p2 =	seq.s32 s10, $0x1;
	s10 =	sld [smem:$0x3F96]  }
0x3d: {  	_ =	shalt  }
0x3e: {  	_ =	shalt  }
0x3f: {  	_ =	shalt  }
0x40: {  	_ =	shalt  }
0x41: {  	_ =	shalt  }
0x42: {  	_ =	shalt  }
0x43: {  	_ =	shalt  }
0x44: {  	_ =	shalt  }
0x45: {  	_ =	shalt  }
0x46: {  	_ =	shalt  }
0x47: {  	_ =	shalt  }
0x48: {  	_ =	shalt  }
0x49: {  	_ =	shalt  }
0x4a: {  	_ =	shalt  }
0x4b: {  	_ =	shalt  }
0x4c: {  	_ =	shalt  }
0x4d: {  	_ =	shalt  }
0x4e: {  	_ =	shalt  }
0x4f: {  	_ =	shalt  }
0x50: {  	_ =	shalt  }
0x51: {  	_ =	shalt  }
0x52: {  	_ =	shalt  }
0x53: {  	_ =	shalt  }
0x54: {  	_ =	shalt  }
0x55: {  	_ =	shalt  }
0x56: {  	_ =	shalt  }
0x57: {  	_ =	shalt  }
0x58: {  	_ =	shalt  }
0x59: {  	_ =	shalt  }
0x5a: {  	_ =	shalt  }
0x5b: {  	_ =	shalt  }
0x5c: {  	_ =	shalt  }
0x5d: {  	_ =	shalt  }
0x5e: {  	_ =	shalt  }
0x5f: {  	_ =	shalt  }
0x60: {  	_ =	shalt  }
0x61: {  	_ =	shalt  }
0x62: {  	_ =	shalt  }
0x63: {  	_ =	shalt  }
0x64: {  	_ =	shalt  }
0x65: {  	_ =	shalt  }
0x66: {  	_ =	shalt  }
0x67: {  	_ =	shalt  }
0x68: {  	_ =	shalt  }
0x69: {  	_ =	shalt  }
0x6a: {  	_ =	shalt  }
0x6b: {  	_ =	shalt  }
0x6c: {  	_ =	shalt  }
0x6d: {  	_ =	shalt  }
0x6e: {  	_ =	shalt  }
0x6f: {  	_ =	shalt  }
0x70: {  	_ =	shalt  }
0x71: {  	_ =	shalt  }
0x72: {  	_ =	shalt  }
0x73: {  	_ =	shalt  }
0x74: {  	_ =	shalt  }
0x75: {  	_ =	shalt  }
0x76: {  	_ =	shalt  }
0x77: {  	_ =	shalt  }
0x78: {  	_ =	shalt  }
0x79: {  	_ =	shalt  }
0x7a: {  	_ =	shalt  }
0x7b: {  	_ =	shalt  }
0x7c: {  	_ =	shalt  }
0x7d: {  	_ =	shalt  }
0x7e: {  	_ =	shalt  }
0x7f: {  	_ =	shalt  }
0x80: {  	_ =	shalt  }
0x81: {  	_ =	shalt  }
0x82: {  	_ =	shalt  }
0x83: {  	_ =	shalt  }
0x84: {  	_ =	shalt  }
0x85: {  	_ =	shalt  }
0x86: {  	_ =	shalt  }
0x87: {  	_ =	shalt  }
.Lfunc_end0:
.L_simem_size_0:
called_computation.1_lowered:
.L_overlay_start_0:
0x88: {  	s2 =	sld [smem:$0x3FD9]  }
0x89: {  	s3 =	sld [smem:$0x3FFE];
	_ =	sdelay $0x1  }
0x8a: {  	s1 =	srdreg.scid  }
0x8b: {  	s0 =	sand.u32 $0x1, s1  }
0x8c: {  	s16 =	sshll.u32 s0, $0xA;
	s2 =	sadd.s32 s3, s2  }
0x8d: {  	s2 =	sadd.s32 s2, s16  }
0x8e: {  	[smem:$0x3FA2] =	sst s2  }
0x8f: {  	_ = 	snop  }
0x90: {  	(tm) =	ssettm $0x1  }
0x91: {  	s17 =	sld [smem:$0x3FFB];
	_ =	sdelay $0x3  }
0x92: {  	_ =	strace s17  }
0x93: {  	s2 =	sld [smem:$0x3FFC];
	_ =	sdelay $0x3  }
0x94: {  	_ =	strace s2  }
0x95: {  	s2 =	sld [smem:$0x3FFD];
	_ =	sdelay $0x3  }
0x96: {  	_ =	strace s2  }
0x97: {  	_ =	strace $0x8FFFFFFF  }
0x98: {  	s18 =	sld [smem:$0x3FDB];
	_ =	sdelay $0x1  }
0x99: {  	s19 =	simm.s32 $_scs_section_size  }
0x9a: {  	s4 =	simm.s32 $_size__tile_overlayer_lowered;
	s5 =	simm.s32 $_tile_overlayer_lowered  }
0x9b: {  	s22 =	simm.s32 $0x1BFF;
	s21 =	sshll.u32 s5, $0x1;
	s2 =	sadd.s32 s19, s18  }
0x9c: {  	s6 =	simm.s32 $0x0;
	s20 =	sshll.u32 s4, $0x1;
	s4 =	sadd.s32 s21, s2  }
0x9d: {  	[timem:s6], [sflag:s22] =	dma.local [hbm:s4], s20  }
0x9e: {  	_ =	swait.ge [sflag:s22], s20  }
0x9f: {  	s3 =	ssub.s32 $0x0, s20;
	[sflag:s22] =	ssyncset.done $0x0  }
0xa0: {  	[sflag:s22] =	ssyncadd.s32 s3;
	_ =	sdelay $0x1  }
0xa1: {  	s23 =	simm.s32 $0x1B8B  }
0xa2: {  	_ =	swait.ge [sflag:s23], $0x1  }
0xa3: {  	[sflag:s23] =	ssyncset.done $0x0  }
0xa4: {  	s25 =	simm.s32 $0x1B8E;
	s24 =	sld [smem:$0x3FFE];
	[sflag:s23] =	ssyncadd.s32 $0xFFFFFFFF  }
0xa5: {  	s26 =	simm.s32 $execute0_lowered;
	[smem:$0x3FD2] =	sst s25  }
0xa6: {  	s4 =	sshll.u32 s26, $0x1;
	_ =	strace $0x80000049;
	[dreg:$0x1] =	wrdreg $0xFFFFFFFF  }
0xa7: {  	s28 =	simm.s32 $_size_execute0_lowered;
	s2 =	sadd.s32 s2, s4;
	[dreg:$0x0] =	wrdreg $0x0  }
0xa8: {  	s4 =	sshll.u32 s28, $0x1;
	[dreg:$0x2] =	wrdreg s2  }
0xa9: {  	[dreg:$0x3] =	wrdreg s4  }
0xaa: {  	[dreg:$0x4] =	wrdreg $0xC0  }
0xab: {  	_ =	task [dreg:s6], $0x5FFFF  }
0xac: {  	[dreg:$0x1] =	wrdreg $0xFFFFFFFF  }
0xad: {  	[dreg:$0x0] =	wrdreg $0x60  }
0xae: {  	[dreg:$0x2] =	wrdreg s24  }
0xaf: {  	[dreg:$0x3] =	wrdreg $0x9  }
0xb0: {  	_ =	task.clear_ibuf [dreg:s6], $0x4FFFF;
	_ =	strace $0x90000049  }
0xb1: {  	s29 =	simm.s32 $0x9;
	_ =	strace $0x8000004B  }
0xb2: {  	_ =	swait.ge [sflag:s29], $0x1  }
0xb3: {  	[sflag:s29] =	ssyncadd.s32 $0xFFFFFFFF  }
0xb4: {  	_ =	strace $0x9000004B  }
0xb5: {  	_ =	sfence  }
0xb6: {  	s30 =	sld [smem:$0x0];
	_ =	sdelay $0x2  }
0xb7: {  	s31 =	sshll.u32 s1, $0xD;
	s1 =	sshrl.u32 s1, $0x2  }
0xb8: {  	s3 =	sand.u32 $0x4000, s31;
	s1 =	sadd.s32 s1, s30  }
0xb9: {  	s0 =	sor.u32 s3, s0;
	s1 =	sshll.u32 s1, $0x11  }
0xba: {  	s0 =	sor.u32 s1, s0  }
0xbb: {  	s0 =	sadd.s32 $0x8F2B, s0  }
0xbc: {  	[sflag:s0] =	ssyncadd.remote.s32 $0x1  }
0xbd: {  	_ =	sfence.sel $0xFFFF  }
0xbe: {  	[dreg:$0x0] =	wrdreg $0xFFFFFFFF;
	(pc) =	sbr.abs _section_cstart, $3  }
0xbf: {  	[dreg:$0x1] =	wrdreg $0xFFFFFFFF  }
0xc0: {  	_ =	task.clear_ibuf [dreg:s6], $0x2FFFF;
	_ =	strace $0x9FFFFFFF  }
0xc1: {  	(tm) =	ssettm $0x7FFFFFFF  }
tec
execute0_lowered:
.L_overlay_start_1:
0x0: {  	(tag) =	ssettag $0x1  }
0x1: {  	s2 =	rddreg [dreg:$0x0]  }
0x2: {  	s0 =	rddreg [dreg:$0x1]  }
0x3: {  	s1 =	srdreg.scid;
	_ =	strace $0x8000004A;
	s4 =	simm.s32 $0x1  }
0x4: {  	s9 =	simm.s32 $0x3;
	s12 =	simm.s32 $0x0;
	s5 =	sshll.u32 s1, $0x4  }
.Ltmp0:
0x5: {  	s1 =	stileid.u32;
	s5 =	sand.u32 $0x10, s5;
	(pc) =	sbr.rel .LBB2_1-.Ltmp0, $4  }
0x6: {  	s10 =	simm.s32 $0x0;
	s3 =	sadd.s32 $0x29000, s2;
	s6 =	sor.u32 s1, s5  }
0x7: {  	[sflag:s4] =	ssyncpa.u1 $0x0;
	s5 =	simm.s32 $0x2;
	s6 =	sshll.u32 s6, $0x7  }
0x8: {  	s7 =	sadd.s32 $0xAD200, s2;
	[sflag:s5] =	ssyncpa.u1 $0x0;
	s8 =	sadd.s32 $0x80, s6  }
0x9: {  	vm0 =	vmmov $0xff;
	vm1 =	vcmask $0x3F20;
	[sflag:s9] =	ssyncpa.u1 $0x0;
	s9 =	simm.s32 $0x80;
	s11 =	smov.u32 s6  }
.LBB2_9:
0xa: {  	p0 =	seq.s32 s10, $0x2  }
.Ltmp1:
0xb: {  	_ = 	snop;
	(pc) =	sbr.rel @p0 .LBB2_11-.Ltmp1, $1  }
0xc: {  	_ =	sdelay $0x3  }
.LBB2_10:
0xd: {  	s12 =	sadd.s32 $0x80, s11  }
0xe: {  	s13 =	smov.u32 s6;
	p0 =	slt.s32 s12, s8  }
0xf: {  	s13 =	smov.u32 @p0 s12  }
0x10: {  	s10 =	sadd.s32 $0x1, s10;
	s12 =	smov.u32 s11;
	s11 =	smov.u32 s13  }
.LBB2_1:
0x11: {  	p0 =	sne.s32 s10, $0x0  }
.Ltmp2:
0x12: {  	_ = 	snop;
	(pc) =	sbr.rel @!p0 .LBB2_2-.Ltmp2, $1  }
0x13: {  	_ =	sdelay $0x3  }
0x14: {  	s13 =	sand.u32 $0x1, s10  }
0x15: {  	p0 =	seq.s32 s13, $0x0  }
.Ltmp3:
0x16: {  	_ = 	snop;
	(pc) =	sbr.rel @p0 .LBB2_9-.Ltmp3, $1  }
0x17: {  	_ =	sdelay $0x3  }
0x18: {  	_ =	swait.ge [sflag:s5], $0x80  }
0x19: {  	[sflag:s5] =	ssyncset.done $0x0  }
0x1a: {  	s13 =	simm.s32 $0x0;
	[sflag:s5] =	ssyncadd.s32 $0xFFFFFF80  }
0x1b: {  	v0 =	vld.msk [tilespmem:s13+$0x80 ss:$0x1], $0xffff;
	_ =	sdelay $0x4  }
0x1c: {  	v1 =	vshll.u32 v0, $0x4  }
0x1d: {  	vm2 =	veq.s32 v0, $0x80000000;
	v0 =	vshll.u32 v0, $0x11;
	v1 =	vand.u32 $0x1FF80, v1  }
0x1e: {  	v0 =	vand.u32 $0xE0000, v0;
	v1 =	vsel vm2, $0xFFFFFF80, v1  }
0x1f: {  	v0 =	vsel vm2, $0xFFFE0000, v0;
	v2 =	vand.u32 $0xFFFFFC00, v1  }
0x20: {  	v1 =	vand.u32 $0x380, v1;
	v0 =	vadd.s32 v0, v2  }
0x21: {  	v0 =	vor.u32 v1, v0  }
0x22: {  	v0 =	vshrl.u32 v0, $0x3;
	_ =	sdelay $0x3  }
0x23: {  	s13 =	simm.s32 $0x4100  }
0x24: {  	[tilespmem:s13], [sflag:$0x1] =	stream.indirect_vreg.gather [hbm:s2], $0x80, v0, vm0, $0x38;
	[tilespmem:$0x8100] =	vst v63  }
0x25: {  	s14 =	simm.s32 $0x4500;
	s31 =	simm.s32 $0x10  }
0x26: {  	[tilespmem:s14], [sflag:$0x1] =	stream.indirect_vreg.gather [hbm:s2], $0x80, v0, vm1, $0x38;
	[tilespmem:$0x8100] =	vst v63  }
0x27: {  	s14 =	simm.s32 $0x80;
	v0 =	vld.msk [tilespmem:s31+$0x80 ss:$0x1], $0xffff  }
.LBB2_5:
0x28: {  	p0 =	sne.s32 s14, $0x1C0;
	_ =	sdelay $0x4  }
0x29: {  	v1 =	vshll.u32 v0, $0x4  }
0x2a: {  	vm2 =	veq.s32 v0, $0x80000000;
	v0 =	vshll.u32 v0, $0x11;
	v1 =	vand.u32 $0x1FF80, v1  }
0x2b: {  	v0 =	vand.u32 $0xE0000, v0;
	v1 =	vsel vm2, $0xFFFFFF80, v1  }
0x2c: {  	v0 =	vsel vm2, $0xFFFE0000, v0;
	v2 =	vand.u32 $0xFFFFFC00, v1  }
0x2d: {  	v1 =	vand.u32 $0x380, v1;
	v0 =	vadd.s32 v0, v2  }
0x2e: {  	v0 =	vor.u32 v1, v0  }
0x2f: {  	v0 =	vshrl.u32 v0, $0x3;
	_ =	sdelay $0x3  }
.Ltmp4:
0x30: {  	s13 =	sadd.s32 $0x800, s13;
	(pc) =	sbr.rel @p0 .LBB2_5-.Ltmp4, $4  }
0x31: {  	[tilespmem:s13], [sflag:$0x1] =	stream.indirect_vreg.gather [hbm:s2], $0x80, v0, vm0, $0x38;
	[tilespmem:$0x8100] =	vst v63  }
0x32: {  	s15 =	sshra.s32 s14, $0x2;
	s16 =	sadd.s32 $0x400, s13  }
0x33: {  	[tilespmem:s16], [sflag:$0x1] =	stream.indirect_vreg.gather [hbm:s2], $0x80, v0, vm1, $0x38;
	[tilespmem:$0x8100] =	vst v63  }
0x34: {  	s14 =	sadd.s32 $0x40, s14;
	v0 =	vld.msk [tilespmem:s15+$0x80 ss:$0x1], $0xffff  }
0x35: {  	_ =	sdelay $0x3  }
0x36: {  	v1 =	vshll.u32 v0, $0x4  }
0x37: {  	vm2 =	veq.s32 v0, $0x80000000;
	v63 =	vshll.u32 v0, $0x11;
	v1 =	vand.u32 $0x1FF80, v1  }
0x38: {  	v0 =	vand.u32 $0xE0000, v63;
	v1 =	vsel vm2, $0xFFFFFF80, v1  }
0x39: {  	v0 =	vsel vm2, $0xFFFE0000, v0;
	v2 =	vand.u32 $0xFFFFFC00, v1  }
0x3a: {  	v1 =	vand.u32 $0x380, v1;
	v0 =	vadd.s32 v0, v2  }
0x3b: {  	v0 =	vor.u32 v1, v0  }
0x3c: {  	v0 =	vshrl.u32 v0, $0x3;
	_ =	sdelay $0x3  }
0x3d: {  	s13 =	sadd.s32 $0x800, s13  }
0x3e: {  	[tilespmem:s13], [sflag:$0x1] =	stream.indirect_vreg.gather [hbm:s2], $0x80, v0, vm0, $0x38;
	[tilespmem:$0x8100] =	vst v63  }
0x3f: {  	s13 =	sadd.s32 $0x400, s13  }
0x40: {  	[tilespmem:s13], [sflag:$0x1] =	stream.indirect_vreg.gather [hbm:s2], $0x80, v0, vm1, $0x38;
	[tilespmem:$0x8100] =	vst v63  }
0x41: {  	s12 =	sshll.u32 s12, $0x4;
	s14 =	simm.s32 $0x80;
	_ =	swait.ge [sflag:s4], $0x4000  }
0x42: {  	s15 =	simm.s32 $0x4500;
	s12 =	sadd.s32 s12, s7;
	[sflag:s4] =	ssyncset.done $0x0  }
0x43: {  	s16 =	sadd.s32 $0x0, s12;
	s13 =	simm.s32 $0x4100;
	[sflag:s4] =	ssyncadd.s32 $0xFFFFC000  }
.LBB2_7:
0x44: {  	[hbm:s16] =	stream.linear.scatter [tilespmem:s13], [sflag:$0x3], $0x400, $0x38;
	[tilespmem:$0x8100] =	vst v63  }
0x45: {  	s16 =	smov.u32 s14;
	s13 =	smov.u32 s15;
	p0 =	sne.s32 s14, $0x780  }
.Ltmp5:
0x46: {  	s14 =	sadd.s32 $0x80, s14;
	(pc) =	sbr.rel @p0 .LBB2_7-.Ltmp5, $2  }
0x47: {  	_ =	sdelay $0x2  }
0x48: {  	s15 =	sadd.s32 $0x400, s15;
	s16 =	sadd.s32 s16, s12  }
.Ltmp6:
0x49: {  	(pc) =	sbr.rel .LBB2_9-.Ltmp6, $2  }
0x4a: {  	_ =	sdelay $0x2  }
0x4b: {  	[hbm:s16] =	stream.linear.scatter [tilespmem:s13], [sflag:$0x3], $0x400, $0x38;
	[tilespmem:$0x8100] =	vst v63  }
.LBB2_2:
.Ltmp7:
0x4c: {  	(pc) =	sbr.rel .LBB2_10-.Ltmp7, $4  }
0x4d: {  	_ = 	snop  }
0x4e: {  	s12 =	sshrl.u32 s11, $0x3  }
0x4f: {  	s13 =	sand.u32 $0x7, s11;
	s12 =	sadd.s32 s3, s12  }
0x50: {  	[tilespmem:s9], [sflag:$0x2] =	stream.linear.gather [hbm4b:s12+s13], $0x80, $0x38;
	[tilespmem:$0x8100] =	vst v63  }
.LBB2_11:
0x51: {  	s2 =	simm.s32 $0x3  }
0x52: {  	_ =	swait.ge [sflag:s2], $0x4000  }
0x53: {  	[sflag:s2] =	ssyncset.done $0x0  }
0x54: {  	[sflag:s2] =	ssyncadd.s32 $0xFFFFC000  }
0x55: {  	_ =	sfence.sel $0x180000  }
0x56: {  	s3 =	simm.s32 $0x2;
	[bflag:$0x0] =	sbarrier.arrive $0xFFFF  }
0x57: {  	[sflag:s3] =	ssyncpa.u1 $0x1  }
0x58: {  	s31 =	simm.s32 $0x1;
	[sflag:s2] =	ssyncpa.u1 $0x1  }
0x59: {  	[sflag:s31] =	ssyncpa.u1 $0x1  }
0x5a: {  	p0 =	sne.s32 s1, $0x0;
	_ =	strace $0x9000004A  }
0x5b: {  	s0 =	sadd.s32 @!p0 $0x100000, s0;
	[bflag:$0x2] =	sbarrier.arrive $0xFFFF  }
0x5c: {  	[sflag:s0] =	ssyncadd.tile.s32 @!p0 $0x1;
	_ =	shalt  }
.Lfunc_end2:
_tile_overlayer_lowered:
.L_overlay_start_2:
0x5d: {  	(tag) =	ssettag $0x2  }
0x5e: {  	s0 =	rddreg [dreg:$0x0];
	s2 =	stileid.u32  }
0x5f: {  	s1 =	rddreg [dreg:$0x1];
	p0 =	sne.s32 s2, $0x0  }
0x60: {  	s3 =	rddreg [dreg:$0x2];
	[bflag:$0x3] =	sbarrier.arrive $0xFFFF;
	s2 =	simm.s32 @!p0 $0x1C01  }
0x61: {  	[timem:s3], [sflag:s2] =	dma.local @!p0 [hbm:s0], s1  }
0x62: {  	s0 =	simm.s32 @!p0 $0x1  }
0x63: {  	_ =	swait.ge @!p0 [sflag:s0], s1  }
0x64: {  	s1 =	ssub.s32 @!p0 $0x0, s1;
	[sflag:s0] =	ssyncset.done @!p0 $0x0  }
0x65: {  	[sflag:s0] =	ssyncadd.s32 @!p0 s1  }
0x66: {  	[bflag:$0x3] =	sbarrier.arrive $0xFFFF  }
0x67: {  	_ =	shalt  }

// kernel: sparse-core-data-format-call.cloned.1.call-start
scs
called_computation_lowered:
.L_overlay_start_0:
0x0: {  	s1 =	sld [smem:$0x3FD9]  }
0x1: {  	s2 =	sld [smem:$0x3FFE];
	_ =	sdelay $0x1  }
0x2: {  	s3 =	srdreg.scid  }
0x3: {  	s0 =	sand.u32 $0x1, s3  }
0x4: {  	s17 =	sshll.u32 s0, $0xA;
	s1 =	sadd.s32 s2, s1  }
0x5: {  	s1 =	sadd.s32 s1, s17  }
0x6: {  	[smem:$0x3FA2] =	sst s1  }
0x7: {  	_ = 	snop  }
0x8: {  	(tm) =	ssettm $0x1  }
0x9: {  	s18 =	sld [smem:$0x3FFB];
	_ =	sdelay $0x3  }
0xa: {  	_ =	strace s18  }
0xb: {  	s1 =	sld [smem:$0x3FFC];
	_ =	sdelay $0x3  }
0xc: {  	_ =	strace s1  }
0xd: {  	s1 =	sld [smem:$0x3FFD];
	_ =	sdelay $0x3  }
0xe: {  	_ =	strace s1  }
0xf: {  	_ =	strace $0x8FFFFFFF  }
0x10: {  	s19 =	sld [smem:$0x3FDB];
	_ =	sdelay $0x1  }
0x11: {  	s20 =	simm.s32 $_scs_section_size  }
0x12: {  	s4 =	simm.s32 $_size__tile_overlayer_lowered;
	s5 =	simm.s32 $_tile_overlayer_lowered  }
0x13: {  	s23 =	simm.s32 $0x1BFF;
	s22 =	sshll.u32 s5, $0x1;
	s1 =	sadd.s32 s20, s19  }
0x14: {  	s6 =	simm.s32 $0x0;
	s21 =	sshll.u32 s4, $0x1;
	s4 =	sadd.s32 s22, s1  }
0x15: {  	[timem:s6], [sflag:s23] =	dma.local [hbm:s4], s21  }
0x16: {  	_ =	swait.ge [sflag:s23], s21  }
0x17: {  	s2 =	ssub.s32 $0x0, s21;
	[sflag:s23] =	ssyncset.done $0x0  }
0x18: {  	[sflag:s23] =	ssyncadd.s32 s2;
	_ =	sdelay $0x1  }
0x19: {  	s24 =	simm.s32 $0x1B8B  }
0x1a: {  	_ =	swait.ge [sflag:s24], $0x1  }
0x1b: {  	[sflag:s24] =	ssyncset.done $0x0  }
0x1c: {  	s26 =	simm.s32 $0x1B8E;
	s25 =	sld [smem:$0x3FFE];
	[sflag:s24] =	ssyncadd.s32 $0xFFFFFFFF  }
0x1d: {  	s27 =	simm.s32 $execute0_lowered;
	[smem:$0x3FD2] =	sst s26  }
0x1e: {  	s4 =	sshll.u32 s27, $0x1;
	_ =	strace $0x8000004C;
	[dreg:$0x1] =	wrdreg $0xFFFFFFFF  }
0x1f: {  	s28 =	simm.s32 $_size_execute0_lowered;
	s1 =	sadd.s32 s1, s4;
	[dreg:$0x0] =	wrdreg $0x0  }
0x20: {  	s4 =	sshll.u32 s28, $0x1;
	[dreg:$0x2] =	wrdreg s1  }
0x21: {  	[dreg:$0x3] =	wrdreg s4  }
0x22: {  	[dreg:$0x4] =	wrdreg $0xC0  }
0x23: {  	_ =	task [dreg:s6], $0x5FFFF  }
0x24: {  	[dreg:$0x1] =	wrdreg $0xFFFFFFFF  }
0x25: {  	[dreg:$0x0] =	wrdreg $0x60  }
0x26: {  	[dreg:$0x2] =	wrdreg s25  }
0x27: {  	[dreg:$0x3] =	wrdreg $0x9  }
0x28: {  	_ =	task.clear_ibuf [dreg:s6], $0x4FFFF;
	_ =	strace $0x9000004C  }
0x29: {  	s29 =	simm.s32 $0x9;
	_ =	strace $0x8000004E  }
0x2a: {  	_ =	swait.ge [sflag:s29], $0x1  }
0x2b: {  	[sflag:s29] =	ssyncadd.s32 $0xFFFFFFFF  }
0x2c: {  	_ =	strace $0x9000004E  }
0x2d: {  	_ =	sfence  }
0x2e: {  	s30 =	sld [smem:$0x0];
	_ =	sdelay $0x2  }
0x2f: {  	s31 =	sshll.u32 s3, $0xD;
	s3 =	sshrl.u32 s3, $0x2  }
0x30: {  	s2 =	sand.u32 $0x4000, s31;
	s1 =	sadd.s32 s3, s30  }
0x31: {  	s0 =	sor.u32 s2, s0;
	s1 =	sshll.u32 s1, $0x11  }
0x32: {  	s0 =	sor.u32 s1, s0  }
0x33: {  	s0 =	sadd.s32 $0x8F2B, s0  }
0x34: {  	[sflag:s0] =	ssyncadd.remote.s32 $0x1  }
0x35: {  	_ =	sfence.sel $0xFFFF  }
0x36: {  	[dreg:$0x0] =	wrdreg $0xFFFFFFFF;
	(pc) =	sbr.abs _section_cstart, $3  }
0x37: {  	[dreg:$0x1] =	wrdreg $0xFFFFFFFF  }
0x38: {  	_ =	task.clear_ibuf [dreg:s6], $0x2FFFF;
	_ =	strace $0x9FFFFFFF  }
0x39: {  	(tm) =	ssettm $0x7FFFFFFF  }
tec
execute0_lowered:
.L_overlay_start_1:
0x0: {  	(tag) =	ssettag $0x1  }
0x1: {  	s0 =	stileid.u32;
	s1 =	srdreg.scid  }
0x2: {  	s4 =	rddreg [dreg:$0x0];
	s7 =	simm.s32 $0x1;
	s31 =	simm.s32 $0x2  }
0x3: {  	s15 =	simm.s32 $0x0;
	s2 =	sshll.u32 s0, $0x4;
	s1 =	sshll.u32 s1, $0x8  }
0x4: {  	s9 =	simm.s32 $0x800;
	s14 =	simm.s32 $0x0;
	s1 =	sor.u32 s2, s1  }
0x5: {  	s16 =	simm.s32 $0x0;
	s10 =	simm.s32 $0x0;
	s2 =	sand.u32 $0x180, s1  }
0x6: {  	s13 =	simm.s32 $0x0;
	s3 =	sadd.s32 $0x1E1C00, s4;
	s5 =	ssub.s32 $0x200, s2  }
0x7: {  	s4 =	sadd.s32 $0x2E1C00, s4;
	s1 =	rddreg [dreg:$0x1];
	s6 =	sand.u32 $0x180, s5  }
.Ltmp0:
0x8: {  	_ =	strace $0x8000004D;
	p0 =	sne.s32 s6, $0x0;
	(pc) =	sbr.rel .LBB1_1-.Ltmp0, $4  }
0x9: {  	s11 =	smov.u32 s2;
	s8 =	sshrl.u32 s5, $0x9;
	s7 =	simm.s32 @!p0 $0x0  }
0xa: {  	s5 =	sand.u32 $0x7, s0;
	s6 =	simm.s32 $0x1;
	s7 =	sadd.s32 s7, s8  }
0xb: {  	s12 =	smov.u32 s5;
	[sflag:s6] =	ssyncpa.u1 $0x0;
	s7 =	sshll.u32 s7, $0x4  }
0xc: {  	p0 =	por $0x0, $0x0;
	[sflag:s31] =	ssyncpa.u1 $0x0;
	s8 =	sor.u32 $0x1, s7  }
.LBB1_4:
0xd: {  	v11 =	vld [tilespmem:s20+$0xFFFFFFE0];
	v12 =	vcombine.low v6, v7  }
0xe: {  	v3 =	vperm.xlane.i2c.b16 v3;
	[tilespmem:s22+$0x3870 ss:$0x81] =	vst.msk $0xffff, v9;
	v45 =	vld [tilespmem:s20+$0xFFFFFFF0];
	v4 =	vperm.xlane.i2c.b16 v4  }
0xf: {  	v46 =	vcombine.high v6, v7;
	[tilespmem:s19+$0x2040 ss:$0x81] =	vst.msk $0xffff, v10;
	v47 =	vld [tilespmem:s20+$0x0];
	v5 =	vperm.xlane.i2c.b16 v5  }
0x10: {  	v49 =	vld [tilespmem:s20+$0x10];
	v1 =	vperm.xlane.i2c.b16 v1;
	[tilespmem:s22+$0x810 ss:$0x81] =	vst.msk $0xffff, v12;
	v48 =	vcombine.low v8, v3  }
0x11: {  	v51 =	vld [tilespmem:s20+$0xFFFFFFC0];
	v58 =	vperm.xlane.i2c.b16 v2;
	v50 =	vcombine.low v4, v0;
	[tilespmem:s22+$0x2850 ss:$0x81] =	vst.msk $0xffff, v46  }
0x12: {  	s27 =	sshra.s32 s21, $0x2;
	v3 =	vcombine.high v8, v3;
	v52 =	vcombine.low v1, v5;
	[tilespmem:s22+$0x1020 ss:$0x81] =	vst.msk $0xffff, v48  }
0x13: {  	s17 =	sadd.s32 s27, s17;
	v1 =	vcombine.high v1, v5;
	v55 =	vcombine.high v4, v0;
	[tilespmem:s22+$0x0 ss:$0x81] =	vst.msk $0xffff, v50  }
0x14: {  	[tilespmem:s17+$0x1830 ss:$0x81] =	vst.msk $0xffff, v52;
	v11 =	vperm.xlane.i2c.b16 v11;
	v53 =	vperm.xlane.i2c.b16 v45  }
0x15: {  	[tilespmem:s22+$0x3060 ss:$0x81] =	vst.msk $0xffff, v3;
	v54 =	vperm.xlane.i2c.b16 v47;
	v57 =	vperm.xlane.i2c.b16 v49  }
0x16: {  	[tilespmem:s17+$0x3870 ss:$0x81] =	vst.msk $0xffff, v1;
	v60 =	vperm.xlane.i2c.b16 v51;
	v56 =	vcombine.low v11, v53  }
0x17: {  	[tilespmem:s22+$0x2040 ss:$0x81] =	vst.msk $0xffff, v55;
	v61 =	vcombine.low v54, v57  }
0x18: {  	v63 =	vcombine.low v60, v58;
	[tilespmem:s17+$0x810 ss:$0x81] =	vst.msk $0xffff, v56  }
0x19: {  	s16 =	sshll.u32 s16, $0x11;
	s28 =	sshrl.u32 s14, $0x1;
	v59 =	vcombine.high v11, v53;
	[tilespmem:s17+$0x1020 ss:$0x81] =	vst.msk $0xffff, v61  }
0x1a: {  	s15 =	sshll.u32 s15, $0xC;
	s29 =	sshrl.u32 s14, $0x3;
	s16 =	sadd.s32 s4, s16;
	v62 =	vcombine.high v54, v57;
	[tilespmem:s17+$0x0 ss:$0x81] =	vst.msk $0xffff, v63  }
0x1b: {  	s30 =	sand.u32 $0x7, s14;
	s19 =	sand.u32 $0xFC0, s28;
	s15 =	sadd.s32 s15, s16;
	v0 =	vcombine.high v60, v58;
	[tilespmem:s17+$0x2850 ss:$0x81] =	vst.msk $0xffff, v59  }
0x1c: {  	s31 =	sand.u32 $0xF, s29;
	s14 =	sshll.u32 s30, $0x12;
	s15 =	sadd.s32 s19, s15;
	[tilespmem:s17+$0x3060 ss:$0x81] =	vst.msk $0xffff, v62  }
0x1d: {  	s14 =	sor.u32 $0x200, s14;
	s15 =	sadd.s32 s31, s15;
	[tilespmem:s17+$0x2040 ss:$0x81] =	vst.msk $0xffff, v0  }
0x1e: {  	[hbm4b:s15+s14] =	stream.strided.scatter [tilespmem:s18], [sflag:$0x2], $0x4000, s9, s14, $0x20;
	[tilespmem:$0x10100] =	vst v63  }
.LBB1_5:
0x1f: {  	s17 =	sadd.s32 $0x2, s10  }
0x20: {  	s14 =	sadd.s32 $0x200, s11;
	s18 =	smov.u32 s11;
	p2 =	sgt.s32 s17, $0x1F  }
0x21: {  	s18 =	smov.u32 @p2 s14  }
0x22: {  	s20 =	smov.u32 s12;
	s14 =	sadd.s32 $0x8, s12;
	p3 =	sgt.s32 s18, $0x1FF  }
0x23: {  	s20 =	smov.u32 @p3 s14  }
0x24: {  	s17 =	simm.s32 @p2 $0x0;
	p2 =	sgt.s32 s20, $0x7  }
0x25: {  	p1 =	slt.u32 s13, $0x2;
	s20 =	smov.u32 @p2 s5;
	p2 =	sne.s32 s13, s8  }
.Ltmp1:
0x26: {  	s19 =	simm.s32 @!p1 $0x2;
	(pc) =	sbr.rel @!p2 .LBB1_6-.Ltmp1, $4  }
0x27: {  	s15 =	smov.u32 s10;
	s16 =	smov.u32 s12;
	_ =	swait.ge @!p1 [sflag:s19], $0x4000  }
0x28: {  	p0 =	por !p0, !p0;
	[sflag:s19] =	ssyncset.done @!p1 $0x0;
	s10 =	smov.u32 s17  }
0x29: {  	s18 =	smov.u32 @p3 s2;
	s14 =	smov.u32 s11;
	[sflag:s19] =	ssyncadd.s32 @!p1 $0xFFFFC000  }
0x2a: {  	s11 =	smov.u32 s18;
	s13 =	sadd.s32 $0x1, s13;
	s12 =	smov.u32 s20  }
.LBB1_1:
0x2b: {  	p1 =	sge.u32 s13, s7;
	s31 =	sadd.s32 $0xFFFFFFFF, s13  }
0x2c: {  	s17 =	sshll.u32 @!p1 s12, $0x11;
	s18 =	sshll.u32 @!p1 s11, $0x8;
	s19 =	sshll.u32 @!p1 s10, $0x3  }
0x2d: {  	s20 =	sxor.u32 @!p1 $0xFFFFFFFF, s13;
	s17 =	sadd.s32 @!p1 s3, s17;
	s19 =	sand.u32 @!p1 $0xF0, s19  }
0x2e: {  	s17 =	sadd.s32 @!p1 s18, s17;
	s18 =	sshll.u32 @!p1 s20, $0xE;
	s20 =	simm.s32 @!p1 $0x800  }
0x2f: {  	s17 =	sadd.s32 @!p1 s19, s17;
	s18 =	sand.u32 @!p1 $0x4000, s18;
	s19 =	simm.s32 @!p1 $0x80  }
0x30: {  	[tilespmem:s18], [sflag:$0x1] =	stream.strided.gather @!p1 [hbm4b:s17+s19], $0x4000, s20, s19, $0x38;
	[tilespmem:$0x10100] =	vst v63  }
0x31: {  	p1 =	sge.u32 s31, s7  }
.Ltmp2:
0x32: {  	_ = 	snop;
	(pc) =	sbr.rel @p1 .LBB1_5-.Ltmp2, $1  }
0x33: {  	_ =	sdelay $0x3  }
0x34: {  	s17 =	simm.s32 $0x1  }
0x35: {  	_ =	swait.ge [sflag:s6], $0x4000;
	s17 =	simm.s32 @!p0 $0x0  }
0x36: {  	[sflag:s6] =	ssyncset.done $0x0;
	s18 =	sshll.u32 s17, $0xE  }
0x37: {  	[sflag:s6] =	ssyncadd.s32 $0xFFFFC000;
	s18 =	sor.u32 $0x40, s18  }
0x38: {  	v0 =	vld [tilespmem:s18+$0x20]  }
0x39: {  	v1 =	vld [tilespmem:s18+$0x30]  }
0x3a: {  	v2 =	vld [tilespmem:s18+$0xFFFFFFD0]  }
0x3b: {  	v3 =	vld [tilespmem:s18+$0xFFFFFFE0]  }
0x3c: {  	v4 =	vld [tilespmem:s18+$0xFFFFFFF0]  }
0x3d: {  	v5 =	vld [tilespmem:s18+$0x0]  }
0x3e: {  	v6 =	vld [tilespmem:s18+$0x10]  }
0x3f: {  	v7 =	vld [tilespmem:s18+$0xFFFFFFC0]  }
0x40: {  	s17 =	smul.u32 $0x10200, s17;
	v1 =	vperm.xlane.i2c.b16 v1;
	v0 =	vperm.xlane.i2c.b16 v0  }
0x41: {  	s18 =	sadd.s32 $0x80, s18;
	v10 =	vperm.xlane.i2c.b16 v2;
	v3 =	vperm.xlane.i2c.b16 v3  }
0x42: {  	s17 =	sshrl.u32 s17, $0x2;
	v9 =	vld [tilespmem:s18+$0x30];
	v4 =	vperm.xlane.i2c.b16 v4;
	v5 =	vperm.xlane.i2c.b16 v5  }
0x43: {  	s17 =	sor.u32 $0x8000, s17;
	v2 =	vld [tilespmem:s18+$0x20];
	v6 =	vperm.xlane.i2c.b16 v6;
	v8 =	vcombine.low v0, v1  }
0x44: {  	v12 =	vld [tilespmem:s18+$0xFFFFFFF0];
	s19 =	sadd.s32 $0x0, s17;
	v13 =	vperm.xlane.i2c.b16 v7;
	v11 =	vcombine.low v3, v4  }
0x45: {  	v0 =	vcombine.high v0, v1;
	v1 =	vld [tilespmem:s18+$0xFFFFFFD0];
	v7 =	vcombine.low v5, v6;
	[tilespmem:s19+$0x1830 ss:$0x81] =	vst.msk $0xffff, v8  }
0x46: {  	v8 =	vld [tilespmem:s18+$0xFFFFFFE0];
	[tilespmem:s19+$0x810 ss:$0x81] =	vst.msk $0xffff, v11  }
0x47: {  	v14 =	vld [tilespmem:s18+$0x0];
	v9 =	vperm.xlane.i2c.b16 v9;
	v5 =	vcombine.high v5, v6;
	[tilespmem:s19+$0x1020 ss:$0x81] =	vst.msk $0xffff, v7  }
0x48: {  	s20 =	sand.u32 $0x1, s13;
	[tilespmem:s19+$0x3870 ss:$0x81] =	vst.msk $0xffff, v0;
	v0 =	vcombine.high v3, v4;
	v3 =	vld [tilespmem:s18+$0x10];
	v2 =	vperm.xlane.i2c.b16 v2  }
0x49: {  	s21 =	smul.u32 $0x10200, s20;
	s20 =	sadd.s32 $0x80, s18;
	v11 =	vcombine.low v13, v10;
	v7 =	vperm.xlane.i2c.b16 v12;
	v4 =	vld [tilespmem:s18+$0xFFFFFFC0];
	[tilespmem:s19+$0x3060 ss:$0x81] =	vst.msk $0xffff, v5  }
0x4a: {  	v5 =	vld [tilespmem:s20+$0x30];
	[tilespmem:s19+$0x2850 ss:$0x81] =	vst.msk $0xffff, v0;
	v0 =	vperm.xlane.i2c.b16 v1;
	v15 =	vcombine.low v2, v9  }
0x4b: {  	s31 =	sshrl.u32 s21, $0x2;
	s22 =	sadd.s32 $0x1, s17;
	[tilespmem:s19+$0x0 ss:$0x81] =	vst.msk $0xffff, v11;
	v1 =	vld [tilespmem:s20+$0x20];
	v9 =	vcombine.high v2, v9;
	v6 =	vperm.xlane.i2c.b16 v8  }
0x4c: {  	s23 =	simm.s32 $0xC;
	s21 =	simm.s32 $0x8;
	v10 =	vcombine.high v13, v10;
	s18 =	sor.u32 $0x8000, s31;
	v2 =	vld [tilespmem:s20+$0xFFFFFFD0];
	v8 =	vperm.xlane.i2c.b16 v14;
	[tilespmem:s22+$0x1830 ss:$0x81] =	vst.msk $0xffff, v15  }
.LBB1_3:
0x4d: {  	p1 =	sne.s32 s23, $0x1FC;
	v11 =	vld [tilespmem:s20+$0xFFFFFFE0];
	v12 =	vcombine.low v6, v7;
	v3 =	vperm.xlane.i2c.b16 v3;
	[tilespmem:s22+$0x3870 ss:$0x81] =	vst.msk $0xffff, v9  }
0x4e: {  	v13 =	vperm.xlane.i2c.b16 v4;
	v4 =	vcombine.high v6, v7;
	v9 =	vld [tilespmem:s20+$0xFFFFFFF0];
	[tilespmem:s19+$0x2040 ss:$0x81] =	vst.msk $0xffff, v10;
	s19 =	smov.u32 s22  }
0x4f: {  	v10 =	vld [tilespmem:s20+$0x0];
	[tilespmem:s19+$0x810 ss:$0x81] =	vst.msk $0xffff, v12;
	v6 =	vcombine.low v8, v3;
	v7 =	vcombine.high v8, v3  }
.Ltmp3:
0x50: {  	v8 =	vperm.xlane.i2c.b16 v5;
	v12 =	vperm.xlane.i2c.b16 v1;
	v3 =	vld [tilespmem:s20+$0x10];
	[tilespmem:s19+$0x2850 ss:$0x81] =	vst.msk $0xffff, v4;
	(pc) =	sbr.rel @p1 .LBB1_3-.Ltmp3, $4  }
0x51: {  	v14 =	vperm.xlane.i2c.b16 v2;
	v2 =	vcombine.low v13, v0;
	v4 =	vld [tilespmem:s20+$0xFFFFFFC0];
	s20 =	sadd.s32 $0x80, s20;
	[tilespmem:s19+$0x1020 ss:$0x81] =	vst.msk $0xffff, v6  }
0x52: {  	s22 =	sshra.s32 s21, $0x2;
	s21 =	smov.u32 s23;
	v1 =	vld [tilespmem:s20+$0x20];
	v6 =	vperm.xlane.i2c.b16 v11;
	v11 =	vcombine.low v12, v8;
	[tilespmem:s19+$0x3060 ss:$0x81] =	vst.msk $0xffff, v7  }
0x53: {  	s22 =	sadd.s32 s22, s17;
	v5 =	vld [tilespmem:s20+$0x30];
	v7 =	vperm.xlane.i2c.b16 v9;
	v9 =	vcombine.high v12, v8;
	[tilespmem:s19+$0x0 ss:$0x81] =	vst.msk $0xffff, v2  }
0x54: {  	s23 =	sadd.s32 $0x4, s23;
	v2 =	vld [tilespmem:s20+$0xFFFFFFD0];
	v8 =	vperm.xlane.i2c.b16 v10;
	[tilespmem:s22+$0x1830 ss:$0x81] =	vst.msk $0xffff, v11;
	v10 =	vcombine.high v13, v0;
	v0 =	vmov v14  }
.Ltmp4:
0x55: {  	_ = 	snop;
	(pc) =	sbr.rel .LBB1_4-.Ltmp4, $1  }
0x56: {  	_ =	sdelay $0x3  }
.LBB1_6:
0x57: {  	_ =	sfence.sel $0x180000  }
0x58: {  	s2 =	simm.s32 $0x1;
	[bflag:$0x0] =	sbarrier.arrive $0xFFFF  }
0x59: {  	s31 =	simm.s32 $0x2;
	[sflag:s2] =	ssyncpa.u1 $0x1  }
0x5a: {  	[sflag:s31] =	ssyncpa.u1 $0x1  }
0x5b: {  	p0 =	sne.s32 s0, $0x0;
	_ =	strace $0x9000004D  }
0x5c: {  	s0 =	sadd.s32 @!p0 $0x100000, s1;
	[bflag:$0x2] =	sbarrier.arrive $0xFFFF  }
0x5d: {  	[sflag:s0] =	ssyncadd.tile.s32 @!p0 $0x1;
	_ =	shalt  }
.Lfunc_end1:
_tile_overlayer_lowered:
.L_overlay_start_2:
0x5e: {  	(tag) =	ssettag $0x2  }
0x5f: {  	s0 =	rddreg [dreg:$0x0];
	s2 =	stileid.u32  }
0x60: {  	s1 =	rddreg [dreg:$0x1];
	p0 =	sne.s32 s2, $0x0  }
0x61: {  	s3 =	rddreg [dreg:$0x2];
	[bflag:$0x3] =	sbarrier.arrive $0xFFFF;
	s2 =	simm.s32 @!p0 $0x1C01  }
0x62: {  	[timem:s3], [sflag:s2] =	dma.local @!p0 [hbm:s0], s1  }
0x63: {  	s0 =	simm.s32 @!p0 $0x1  }
0x64: {  	_ =	swait.ge @!p0 [sflag:s0], s1  }
0x65: {  	s1 =	ssub.s32 @!p0 $0x0, s1;
	[sflag:s0] =	ssyncset.done @!p0 $0x0  }
0x66: {  	[sflag:s0] =	ssyncadd.s32 @!p0 s1  }
0x67: {  	[bflag:$0x3] =	sbarrier.arrive $0xFFFF  }
0x68: {  	_ =	shalt  }

</sc_bundles>
